<compile_context>
chip_gen: v7x
topology: tpu7x:2x2x1
jax: 0.10.2.dev20260603
libtpu: 0.0.44.dev20260713+nightly
codegen_flags: <defaults>
</compile_context>

<pallas_src>
import functools

import jax
import jax.numpy as jnp
from jax import lax
from jax.experimental import pallas as pl
from jax.experimental.pallas import tpu as pltpu
from jax.experimental.pallas import tpu_sc as plsc

FEATURE_DIM = 128
NUM_WORKERS = 32
CHUNK = 64
NBUF = 10


def _make_gather(n_rows):
    n_per_w = n_rows // NUM_WORKERS
    n_chunks = n_per_w // CHUNK
    n_groups = n_chunks // NBUF

    mesh = plsc.VectorSubcoreMesh(core_axis_name="c", subcore_axis_name="s")

    @functools.partial(
        pl.kernel,
        mesh=mesh,
        out_type=jax.ShapeDtypeStruct((n_rows, FEATURE_DIM), jnp.float32),
        scratch_types=[
            pltpu.VMEM((n_chunks, CHUNK), jnp.int32),
            pltpu.VMEM((NBUF, CHUNK, FEATURE_DIM), jnp.float32),
        ]
        + [pltpu.SemaphoreType.DMA] * (2 * NBUF),
    )
    def gather_kernel(idx_hbm, table_hbm, out_hbm, idx_v, rows_v, *sems):
        gsems = sems[:NBUF]
        osems = sems[NBUF:]
        wid = lax.axis_index("s") * 2 + lax.axis_index("c")
        base = wid * n_per_w
        pltpu.sync_copy(idx_hbm.at[wid], idx_v)

        def gather_cp(j, b):
            return pltpu.make_async_copy(
                table_hbm.at[idx_v.at[j]], rows_v.at[b], gsems[b]
            )

        def store_cp(j, b):
            return pltpu.make_async_copy(
                rows_v.at[b], out_hbm.at[pl.ds(base + j * CHUNK, CHUNK)],
                osems[b],
            )

        for b in range(NBUF):
            gather_cp(b, b).start()

        def body(g, carry):
            j0 = g * NBUF
            for b in range(NBUF):
                j = j0 + b
                gather_cp(j, b).wait()
                store_cp(j, b).start()

                @pl.when(j + NBUF < n_chunks)
                def _():
                    store_cp(j, b).wait()
                    gather_cp(j + NBUF, b).start()

            return carry

        lax.fori_loop(0, n_groups, body, 0)

        for b in range(NBUF):
            store_cp(n_chunks - NBUF + b, b).wait()

    return gather_kernel


def kernel(idx, table):
    n_b, n_s = idx.shape
    n_rows = n_b * n_s
    idx_t = idx.T.astype(jnp.int32).reshape(
        NUM_WORKERS, n_rows // (NUM_WORKERS * CHUNK), CHUNK
    )
    out = _make_gather(n_rows)(idx_t, table)
    return out.reshape(n_s, n_b, FEATURE_DIM).transpose(1, 0, 2)

# --- scband reference (transcript-rebuilt; emitter-appended) ---
"""Pipeline reference for scband-embedding-26096221290730 (READ-ONLY COPY).

The authoritative reference and input builder live on the scoring server;
editing this copy changes nothing except your own understanding.
"""

import jax, jax.numpy as jnp
import numpy as np

MAX_EMBEDDINGS = 100000
FEATURE_DIM = 128


def setup_inputs(seed: int = 0) -> dict:
    key = jax.random.key(seed)
    k_idx, k_tab = jax.random.split(key)
    idx = jax.random.randint(k_idx, (4096, 50), 0, MAX_EMBEDDINGS, dtype=jnp.int64 if jax.config.jax_enable_x64 else jnp.int32)
    table = jax.random.normal(k_tab, (MAX_EMBEDDINGS, FEATURE_DIM), dtype=jnp.float32)
    return {"idx": idx, "table": table}


def reference(idx, table):
    # features = self.embeddings[idx] -> embedding gather
    features = jnp.take(table, idx, axis=0)
    # original module returns {'keys': None, 'features': features}; keys path unused (get_keys=False)
    return features

if __name__ == "__main__":
    import jax
    _d = setup_inputs()
    print(jax.jit(kernel)(*tuple(_d.values())))

</pallas_src>

<mosaic_0001>
#map = affine_map<(d0, d1) -> (0, 0, 0)>
#map1 = affine_map<(d0, d1) -> (0, 0)>
module attributes {stable_mosaic.version = 14 : i64} {
  func.func @gather_kernel(%arg0: i32, %arg1: i32, %arg2: memref<32x100x64xi32, #tpu.memory_space<hbm>>, %arg3: memref<100000x128xf32, #tpu.memory_space<hbm>>, %arg4: memref<204800x128xf32, #tpu.memory_space<hbm>>, %arg5: memref<100x64xi32, #tpu.memory_space<vmem>>, %arg6: memref<10x64x128xf32, #tpu.memory_space<vmem>>, %arg7: memref<!tpu.dma_semaphore, #tpu.memory_space<semaphore_mem>>, %arg8: memref<!tpu.dma_semaphore, #tpu.memory_space<semaphore_mem>>, %arg9: memref<!tpu.dma_semaphore, #tpu.memory_space<semaphore_mem>>, %arg10: memref<!tpu.dma_semaphore, #tpu.memory_space<semaphore_mem>>, %arg11: memref<!tpu.dma_semaphore, #tpu.memory_space<semaphore_mem>>, %arg12: memref<!tpu.dma_semaphore, #tpu.memory_space<semaphore_mem>>, %arg13: memref<!tpu.dma_semaphore, #tpu.memory_space<semaphore_mem>>, %arg14: memref<!tpu.dma_semaphore, #tpu.memory_space<semaphore_mem>>, %arg15: memref<!tpu.dma_semaphore, #tpu.memory_space<semaphore_mem>>, %arg16: memref<!tpu.dma_semaphore, #tpu.memory_space<semaphore_mem>>, %arg17: memref<!tpu.dma_semaphore, #tpu.memory_space<semaphore_mem>>, %arg18: memref<!tpu.dma_semaphore, #tpu.memory_space<semaphore_mem>>, %arg19: memref<!tpu.dma_semaphore, #tpu.memory_space<semaphore_mem>>, %arg20: memref<!tpu.dma_semaphore, #tpu.memory_space<semaphore_mem>>, %arg21: memref<!tpu.dma_semaphore, #tpu.memory_space<semaphore_mem>>, %arg22: memref<!tpu.dma_semaphore, #tpu.memory_space<semaphore_mem>>, %arg23: memref<!tpu.dma_semaphore, #tpu.memory_space<semaphore_mem>>, %arg24: memref<!tpu.dma_semaphore, #tpu.memory_space<semaphore_mem>>, %arg25: memref<!tpu.dma_semaphore, #tpu.memory_space<semaphore_mem>>, %arg26: memref<!tpu.dma_semaphore, #tpu.memory_space<semaphore_mem>>) attributes {dimension_semantics = [#tpu.dimension_semantics<core_parallel>, #tpu.dimension_semantics<subcore_parallel>], iteration_bounds = array<i64: 2, 16>, scalar_prefetch = 0 : i64, scratch_operands = 22 : i64, tpu.core_type = #tpu.core_type<sc_vector_subcore>, window_params = [{transform_indices = #map}, {transform_indices = #map1}, {transform_indices = #map1}]} {
    %mul3A = arith.constant 2 : i32
    %mul3A_0 = arith.muli %arg1, %mul3A : i32
    %add3A = arith.addi %mul3A_0, %arg0 : i32
    %mul3A_1 = arith.constant 6400 : i32
    %mul3A_2 = arith.muli %add3A, %mul3A_1 : i32
    "tpu.region"() ({
      %run_scoped3A = tpu.sem_alloc : memref<!tpu.dma_semaphore, #tpu.memory_space<semaphore_mem>>
      %dma_start3A_276 = arith.constant 0 : i32
      %dma_start3A_277 = arith.constant 0 : i32
      %dma_start3A_278 = tpu.memref_slice %arg2[%add3A, %dma_start3A_276, %dma_start3A_277] : memref<32x100x64xi32, #tpu.memory_space<hbm>> -> memref<1x100x64xi32, #tpu.memory_space<hbm>>
      %dma_start3A_279 = tpu.memref_squeeze %dma_start3A_278 : memref<1x100x64xi32, #tpu.memory_space<hbm>> -> memref<100x64xi32, #tpu.memory_space<hbm>>
      %dma_start3A_280 = arith.constant 0 : i32
      %dma_start3A_281 = arith.constant 0 : i32
      %dma_start3A_282 = tpu.memref_slice %arg2[%add3A, %dma_start3A_280, %dma_start3A_281] : memref<32x100x64xi32, #tpu.memory_space<hbm>> -> memref<1x100x64xi32, #tpu.memory_space<hbm>>
      %dma_start3A_283 = tpu.memref_squeeze %dma_start3A_282 : memref<1x100x64xi32, #tpu.memory_space<hbm>> -> memref<100x64xi32, #tpu.memory_space<hbm>>
      tpu.enqueue_dma source(%dma_start3A_283 : memref<100x64xi32, #tpu.memory_space<hbm>>) target(%arg5 : memref<100x64xi32, #tpu.memory_space<vmem>>) target_semaphore(%run_scoped3A : memref<!tpu.dma_semaphore, #tpu.memory_space<semaphore_mem>>)
      %dma_wait3A_284 = arith.constant 0 : i32
      %dma_wait3A_285 = arith.constant 0 : i32
      %dma_wait3A_286 = tpu.memref_slice %arg2[%add3A, %dma_wait3A_284, %dma_wait3A_285] : memref<32x100x64xi32, #tpu.memory_space<hbm>> -> memref<1x100x64xi32, #tpu.memory_space<hbm>>
      %dma_wait3A_287 = tpu.memref_squeeze %dma_wait3A_286 : memref<1x100x64xi32, #tpu.memory_space<hbm>> -> memref<100x64xi32, #tpu.memory_space<hbm>>
      %dma_wait3A_288 = arith.constant 0 : i32
      %dma_wait3A_289 = arith.constant 0 : i32
      %dma_wait3A_290 = tpu.memref_slice %arg2[%add3A, %dma_wait3A_288, %dma_wait3A_289] : memref<32x100x64xi32, #tpu.memory_space<hbm>> -> memref<1x100x64xi32, #tpu.memory_space<hbm>>
      %dma_wait3A_291 = tpu.memref_squeeze %dma_wait3A_290 : memref<1x100x64xi32, #tpu.memory_space<hbm>> -> memref<100x64xi32, #tpu.memory_space<hbm>>
      tpu.wait_dma2 semaphore(%run_scoped3A : memref<!tpu.dma_semaphore, #tpu.memory_space<semaphore_mem>>) src(%dma_wait3A_291 : memref<100x64xi32, #tpu.memory_space<hbm>>) dst(%arg5 : memref<100x64xi32, #tpu.memory_space<vmem>>)
      tpu.yield
    }) : () -> ()
    %dma_start3A = arith.constant 0 : i32
    %dma_start3A_3 = arith.constant 0 : i32
    %dma_start3A_4 = arith.constant 0 : i32
    %dma_start3A_5 = arith.constant 0 : i32
    %dma_start3A_6 = tpu.memref_slice %arg6[%dma_start3A_3, %dma_start3A_4, %dma_start3A_5] : memref<10x64x128xf32, #tpu.memory_space<vmem>> -> memref<1x64x128xf32, #tpu.memory_space<vmem>>
    %dma_start3A_7 = tpu.memref_squeeze %dma_start3A_6 : memref<1x64x128xf32, #tpu.memory_space<vmem>> -> memref<64x128xf32, #tpu.memory_space<vmem>>
    %dma_start3A_8 = arith.constant 0 : i32
    %dma_start3A_9 = tpu.memref_slice %arg5[%dma_start3A, %dma_start3A_8] : memref<100x64xi32, #tpu.memory_space<vmem>> -> memref<1x64xi32, #tpu.memory_space<vmem>>
    %dma_start3A_10 = tpu.memref_squeeze %dma_start3A_9 : memref<1x64xi32, #tpu.memory_space<vmem>> -> memref<64xi32, #tpu.memory_space<vmem>>
    %dma_start3A_11 = arith.constant 0 : i32
    %dma_start3A_12 = arith.constant 0 : i32
    %dma_start3A_13 = tpu.memref_slice %arg3[%dma_start3A_11, %dma_start3A_12] : memref<100000x128xf32, #tpu.memory_space<hbm>> -> memref<100000x128xf32, #tpu.memory_space<hbm>>
    tpu.enqueue_indirect_dma source(%dma_start3A_13 : memref<100000x128xf32, #tpu.memory_space<hbm>>) target(%dma_start3A_7 : memref<64x128xf32, #tpu.memory_space<vmem>>) offsets(%dma_start3A_10 : memref<64xi32, #tpu.memory_space<vmem>>) semaphore(%arg7 : memref<!tpu.dma_semaphore, #tpu.memory_space<semaphore_mem>>)
    %dma_start3A_14 = arith.constant 1 : i32
    %dma_start3A_15 = arith.constant 1 : i32
    %dma_start3A_16 = arith.constant 0 : i32
    %dma_start3A_17 = arith.constant 0 : i32
    %dma_start3A_18 = tpu.memref_slice %arg6[%dma_start3A_15, %dma_start3A_16, %dma_start3A_17] : memref<10x64x128xf32, #tpu.memory_space<vmem>> -> memref<1x64x128xf32, #tpu.memory_space<vmem>>
    %dma_start3A_19 = tpu.memref_squeeze %dma_start3A_18 : memref<1x64x128xf32, #tpu.memory_space<vmem>> -> memref<64x128xf32, #tpu.memory_space<vmem>>
    %dma_start3A_20 = arith.constant 0 : i32
    %dma_start3A_21 = tpu.memref_slice %arg5[%dma_start3A_14, %dma_start3A_20] : memref<100x64xi32, #tpu.memory_space<vmem>> -> memref<1x64xi32, #tpu.memory_space<vmem>>
    %dma_start3A_22 = tpu.memref_squeeze %dma_start3A_21 : memref<1x64xi32, #tpu.memory_space<vmem>> -> memref<64xi32, #tpu.memory_space<vmem>>
    %dma_start3A_23 = arith.constant 0 : i32
    %dma_start3A_24 = arith.constant 0 : i32
    %dma_start3A_25 = tpu.memref_slice %arg3[%dma_start3A_23, %dma_start3A_24] : memref<100000x128xf32, #tpu.memory_space<hbm>> -> memref<100000x128xf32, #tpu.memory_space<hbm>>
    tpu.enqueue_indirect_dma source(%dma_start3A_25 : memref<100000x128xf32, #tpu.memory_space<hbm>>) target(%dma_start3A_19 : memref<64x128xf32, #tpu.memory_space<vmem>>) offsets(%dma_start3A_22 : memref<64xi32, #tpu.memory_space<vmem>>) semaphore(%arg8 : memref<!tpu.dma_semaphore, #tpu.memory_space<semaphore_mem>>)
    %dma_start3A_26 = arith.constant 2 : i32
    %dma_start3A_27 = arith.constant 2 : i32
    %dma_start3A_28 = arith.constant 0 : i32
    %dma_start3A_29 = arith.constant 0 : i32
    %dma_start3A_30 = tpu.memref_slice %arg6[%dma_start3A_27, %dma_start3A_28, %dma_start3A_29] : memref<10x64x128xf32, #tpu.memory_space<vmem>> -> memref<1x64x128xf32, #tpu.memory_space<vmem>>
    %dma_start3A_31 = tpu.memref_squeeze %dma_start3A_30 : memref<1x64x128xf32, #tpu.memory_space<vmem>> -> memref<64x128xf32, #tpu.memory_space<vmem>>
    %dma_start3A_32 = arith.constant 0 : i32
    %dma_start3A_33 = tpu.memref_slice %arg5[%dma_start3A_26, %dma_start3A_32] : memref<100x64xi32, #tpu.memory_space<vmem>> -> memref<1x64xi32, #tpu.memory_space<vmem>>
    %dma_start3A_34 = tpu.memref_squeeze %dma_start3A_33 : memref<1x64xi32, #tpu.memory_space<vmem>> -> memref<64xi32, #tpu.memory_space<vmem>>
    %dma_start3A_35 = arith.constant 0 : i32
    %dma_start3A_36 = arith.constant 0 : i32
    %dma_start3A_37 = tpu.memref_slice %arg3[%dma_start3A_35, %dma_start3A_36] : memref<100000x128xf32, #tpu.memory_space<hbm>> -> memref<100000x128xf32, #tpu.memory_space<hbm>>
    tpu.enqueue_indirect_dma source(%dma_start3A_37 : memref<100000x128xf32, #tpu.memory_space<hbm>>) target(%dma_start3A_31 : memref<64x128xf32, #tpu.memory_space<vmem>>) offsets(%dma_start3A_34 : memref<64xi32, #tpu.memory_space<vmem>>) semaphore(%arg9 : memref<!tpu.dma_semaphore, #tpu.memory_space<semaphore_mem>>)
    %dma_start3A_38 = arith.constant 3 : i32
    %dma_start3A_39 = arith.constant 3 : i32
    %dma_start3A_40 = arith.constant 0 : i32
    %dma_start3A_41 = arith.constant 0 : i32
    %dma_start3A_42 = tpu.memref_slice %arg6[%dma_start3A_39, %dma_start3A_40, %dma_start3A_41] : memref<10x64x128xf32, #tpu.memory_space<vmem>> -> memref<1x64x128xf32, #tpu.memory_space<vmem>>
    %dma_start3A_43 = tpu.memref_squeeze %dma_start3A_42 : memref<1x64x128xf32, #tpu.memory_space<vmem>> -> memref<64x128xf32, #tpu.memory_space<vmem>>
    %dma_start3A_44 = arith.constant 0 : i32
    %dma_start3A_45 = tpu.memref_slice %arg5[%dma_start3A_38, %dma_start3A_44] : memref<100x64xi32, #tpu.memory_space<vmem>> -> memref<1x64xi32, #tpu.memory_space<vmem>>
    %dma_start3A_46 = tpu.memref_squeeze %dma_start3A_45 : memref<1x64xi32, #tpu.memory_space<vmem>> -> memref<64xi32, #tpu.memory_space<vmem>>
    %dma_start3A_47 = arith.constant 0 : i32
    %dma_start3A_48 = arith.constant 0 : i32
    %dma_start3A_49 = tpu.memref_slice %arg3[%dma_start3A_47, %dma_start3A_48] : memref<100000x128xf32, #tpu.memory_space<hbm>> -> memref<100000x128xf32, #tpu.memory_space<hbm>>
    tpu.enqueue_indirect_dma source(%dma_start3A_49 : memref<100000x128xf32, #tpu.memory_space<hbm>>) target(%dma_start3A_43 : memref<64x128xf32, #tpu.memory_space<vmem>>) offsets(%dma_start3A_46 : memref<64xi32, #tpu.memory_space<vmem>>) semaphore(%arg10 : memref<!tpu.dma_semaphore, #tpu.memory_space<semaphore_mem>>)
    %dma_start3A_50 = arith.constant 4 : i32
    %dma_start3A_51 = arith.constant 4 : i32
    %dma_start3A_52 = arith.constant 0 : i32
    %dma_start3A_53 = arith.constant 0 : i32
    %dma_start3A_54 = tpu.memref_slice %arg6[%dma_start3A_51, %dma_start3A_52, %dma_start3A_53] : memref<10x64x128xf32, #tpu.memory_space<vmem>> -> memref<1x64x128xf32, #tpu.memory_space<vmem>>
    %dma_start3A_55 = tpu.memref_squeeze %dma_start3A_54 : memref<1x64x128xf32, #tpu.memory_space<vmem>> -> memref<64x128xf32, #tpu.memory_space<vmem>>
    %dma_start3A_56 = arith.constant 0 : i32
    %dma_start3A_57 = tpu.memref_slice %arg5[%dma_start3A_50, %dma_start3A_56] : memref<100x64xi32, #tpu.memory_space<vmem>> -> memref<1x64xi32, #tpu.memory_space<vmem>>
    %dma_start3A_58 = tpu.memref_squeeze %dma_start3A_57 : memref<1x64xi32, #tpu.memory_space<vmem>> -> memref<64xi32, #tpu.memory_space<vmem>>
    %dma_start3A_59 = arith.constant 0 : i32
    %dma_start3A_60 = arith.constant 0 : i32
    %dma_start3A_61 = tpu.memref_slice %arg3[%dma_start3A_59, %dma_start3A_60] : memref<100000x128xf32, #tpu.memory_space<hbm>> -> memref<100000x128xf32, #tpu.memory_space<hbm>>
    tpu.enqueue_indirect_dma source(%dma_start3A_61 : memref<100000x128xf32, #tpu.memory_space<hbm>>) target(%dma_start3A_55 : memref<64x128xf32, #tpu.memory_space<vmem>>) offsets(%dma_start3A_58 : memref<64xi32, #tpu.memory_space<vmem>>) semaphore(%arg11 : memref<!tpu.dma_semaphore, #tpu.memory_space<semaphore_mem>>)
    %dma_start3A_62 = arith.constant 5 : i32
    %dma_start3A_63 = arith.constant 5 : i32
    %dma_start3A_64 = arith.constant 0 : i32
    %dma_start3A_65 = arith.constant 0 : i32
    %dma_start3A_66 = tpu.memref_slice %arg6[%dma_start3A_63, %dma_start3A_64, %dma_start3A_65] : memref<10x64x128xf32, #tpu.memory_space<vmem>> -> memref<1x64x128xf32, #tpu.memory_space<vmem>>
    %dma_start3A_67 = tpu.memref_squeeze %dma_start3A_66 : memref<1x64x128xf32, #tpu.memory_space<vmem>> -> memref<64x128xf32, #tpu.memory_space<vmem>>
    %dma_start3A_68 = arith.constant 0 : i32
    %dma_start3A_69 = tpu.memref_slice %arg5[%dma_start3A_62, %dma_start3A_68] : memref<100x64xi32, #tpu.memory_space<vmem>> -> memref<1x64xi32, #tpu.memory_space<vmem>>
    %dma_start3A_70 = tpu.memref_squeeze %dma_start3A_69 : memref<1x64xi32, #tpu.memory_space<vmem>> -> memref<64xi32, #tpu.memory_space<vmem>>
    %dma_start3A_71 = arith.constant 0 : i32
    %dma_start3A_72 = arith.constant 0 : i32
    %dma_start3A_73 = tpu.memref_slice %arg3[%dma_start3A_71, %dma_start3A_72] : memref<100000x128xf32, #tpu.memory_space<hbm>> -> memref<100000x128xf32, #tpu.memory_space<hbm>>
    tpu.enqueue_indirect_dma source(%dma_start3A_73 : memref<100000x128xf32, #tpu.memory_space<hbm>>) target(%dma_start3A_67 : memref<64x128xf32, #tpu.memory_space<vmem>>) offsets(%dma_start3A_70 : memref<64xi32, #tpu.memory_space<vmem>>) semaphore(%arg12 : memref<!tpu.dma_semaphore, #tpu.memory_space<semaphore_mem>>)
    %dma_start3A_74 = arith.constant 6 : i32
    %dma_start3A_75 = arith.constant 6 : i32
    %dma_start3A_76 = arith.constant 0 : i32
    %dma_start3A_77 = arith.constant 0 : i32
    %dma_start3A_78 = tpu.memref_slice %arg6[%dma_start3A_75, %dma_start3A_76, %dma_start3A_77] : memref<10x64x128xf32, #tpu.memory_space<vmem>> -> memref<1x64x128xf32, #tpu.memory_space<vmem>>
    %dma_start3A_79 = tpu.memref_squeeze %dma_start3A_78 : memref<1x64x128xf32, #tpu.memory_space<vmem>> -> memref<64x128xf32, #tpu.memory_space<vmem>>
    %dma_start3A_80 = arith.constant 0 : i32
    %dma_start3A_81 = tpu.memref_slice %arg5[%dma_start3A_74, %dma_start3A_80] : memref<100x64xi32, #tpu.memory_space<vmem>> -> memref<1x64xi32, #tpu.memory_space<vmem>>
    %dma_start3A_82 = tpu.memref_squeeze %dma_start3A_81 : memref<1x64xi32, #tpu.memory_space<vmem>> -> memref<64xi32, #tpu.memory_space<vmem>>
    %dma_start3A_83 = arith.constant 0 : i32
    %dma_start3A_84 = arith.constant 0 : i32
    %dma_start3A_85 = tpu.memref_slice %arg3[%dma_start3A_83, %dma_start3A_84] : memref<100000x128xf32, #tpu.memory_space<hbm>> -> memref<100000x128xf32, #tpu.memory_space<hbm>>
    tpu.enqueue_indirect_dma source(%dma_start3A_85 : memref<100000x128xf32, #tpu.memory_space<hbm>>) target(%dma_start3A_79 : memref<64x128xf32, #tpu.memory_space<vmem>>) offsets(%dma_start3A_82 : memref<64xi32, #tpu.memory_space<vmem>>) semaphore(%arg13 : memref<!tpu.dma_semaphore, #tpu.memory_space<semaphore_mem>>)
    %dma_start3A_86 = arith.constant 7 : i32
    %dma_start3A_87 = arith.constant 7 : i32
    %dma_start3A_88 = arith.constant 0 : i32
    %dma_start3A_89 = arith.constant 0 : i32
    %dma_start3A_90 = tpu.memref_slice %arg6[%dma_start3A_87, %dma_start3A_88, %dma_start3A_89] : memref<10x64x128xf32, #tpu.memory_space<vmem>> -> memref<1x64x128xf32, #tpu.memory_space<vmem>>
    %dma_start3A_91 = tpu.memref_squeeze %dma_start3A_90 : memref<1x64x128xf32, #tpu.memory_space<vmem>> -> memref<64x128xf32, #tpu.memory_space<vmem>>
    %dma_start3A_92 = arith.constant 0 : i32
    %dma_start3A_93 = tpu.memref_slice %arg5[%dma_start3A_86, %dma_start3A_92] : memref<100x64xi32, #tpu.memory_space<vmem>> -> memref<1x64xi32, #tpu.memory_space<vmem>>
    %dma_start3A_94 = tpu.memref_squeeze %dma_start3A_93 : memref<1x64xi32, #tpu.memory_space<vmem>> -> memref<64xi32, #tpu.memory_space<vmem>>
    %dma_start3A_95 = arith.constant 0 : i32
    %dma_start3A_96 = arith.constant 0 : i32
    %dma_start3A_97 = tpu.memref_slice %arg3[%dma_start3A_95, %dma_start3A_96] : memref<100000x128xf32, #tpu.memory_space<hbm>> -> memref<100000x128xf32, #tpu.memory_space<hbm>>
    tpu.enqueue_indirect_dma source(%dma_start3A_97 : memref<100000x128xf32, #tpu.memory_space<hbm>>) target(%dma_start3A_91 : memref<64x128xf32, #tpu.memory_space<vmem>>) offsets(%dma_start3A_94 : memref<64xi32, #tpu.memory_space<vmem>>) semaphore(%arg14 : memref<!tpu.dma_semaphore, #tpu.memory_space<semaphore_mem>>)
    %dma_start3A_98 = arith.constant 8 : i32
    %dma_start3A_99 = arith.constant 8 : i32
    %dma_start3A_100 = arith.constant 0 : i32
    %dma_start3A_101 = arith.constant 0 : i32
    %dma_start3A_102 = tpu.memref_slice %arg6[%dma_start3A_99, %dma_start3A_100, %dma_start3A_101] : memref<10x64x128xf32, #tpu.memory_space<vmem>> -> memref<1x64x128xf32, #tpu.memory_space<vmem>>
    %dma_start3A_103 = tpu.memref_squeeze %dma_start3A_102 : memref<1x64x128xf32, #tpu.memory_space<vmem>> -> memref<64x128xf32, #tpu.memory_space<vmem>>
    %dma_start3A_104 = arith.constant 0 : i32
    %dma_start3A_105 = tpu.memref_slice %arg5[%dma_start3A_98, %dma_start3A_104] : memref<100x64xi32, #tpu.memory_space<vmem>> -> memref<1x64xi32, #tpu.memory_space<vmem>>
    %dma_start3A_106 = tpu.memref_squeeze %dma_start3A_105 : memref<1x64xi32, #tpu.memory_space<vmem>> -> memref<64xi32, #tpu.memory_space<vmem>>
    %dma_start3A_107 = arith.constant 0 : i32
    %dma_start3A_108 = arith.constant 0 : i32
    %dma_start3A_109 = tpu.memref_slice %arg3[%dma_start3A_107, %dma_start3A_108] : memref<100000x128xf32, #tpu.memory_space<hbm>> -> memref<100000x128xf32, #tpu.memory_space<hbm>>
    tpu.enqueue_indirect_dma source(%dma_start3A_109 : memref<100000x128xf32, #tpu.memory_space<hbm>>) target(%dma_start3A_103 : memref<64x128xf32, #tpu.memory_space<vmem>>) offsets(%dma_start3A_106 : memref<64xi32, #tpu.memory_space<vmem>>) semaphore(%arg15 : memref<!tpu.dma_semaphore, #tpu.memory_space<semaphore_mem>>)
    %dma_start3A_110 = arith.constant 9 : i32
    %dma_start3A_111 = arith.constant 9 : i32
    %dma_start3A_112 = arith.constant 0 : i32
    %dma_start3A_113 = arith.constant 0 : i32
    %dma_start3A_114 = tpu.memref_slice %arg6[%dma_start3A_111, %dma_start3A_112, %dma_start3A_113] : memref<10x64x128xf32, #tpu.memory_space<vmem>> -> memref<1x64x128xf32, #tpu.memory_space<vmem>>
    %dma_start3A_115 = tpu.memref_squeeze %dma_start3A_114 : memref<1x64x128xf32, #tpu.memory_space<vmem>> -> memref<64x128xf32, #tpu.memory_space<vmem>>
    %dma_start3A_116 = arith.constant 0 : i32
    %dma_start3A_117 = tpu.memref_slice %arg5[%dma_start3A_110, %dma_start3A_116] : memref<100x64xi32, #tpu.memory_space<vmem>> -> memref<1x64xi32, #tpu.memory_space<vmem>>
    %dma_start3A_118 = tpu.memref_squeeze %dma_start3A_117 : memref<1x64xi32, #tpu.memory_space<vmem>> -> memref<64xi32, #tpu.memory_space<vmem>>
    %dma_start3A_119 = arith.constant 0 : i32
    %dma_start3A_120 = arith.constant 0 : i32
    %dma_start3A_121 = tpu.memref_slice %arg3[%dma_start3A_119, %dma_start3A_120] : memref<100000x128xf32, #tpu.memory_space<hbm>> -> memref<100000x128xf32, #tpu.memory_space<hbm>>
    tpu.enqueue_indirect_dma source(%dma_start3A_121 : memref<100000x128xf32, #tpu.memory_space<hbm>>) target(%dma_start3A_115 : memref<64x128xf32, #tpu.memory_space<vmem>>) offsets(%dma_start3A_118 : memref<64xi32, #tpu.memory_space<vmem>>) semaphore(%arg16 : memref<!tpu.dma_semaphore, #tpu.memory_space<semaphore_mem>>)
    %scan3A = arith.constant 0 : i32
    %scan3A_122 = arith.constant 0 : i32
    %scan3A_123 = arith.constant 10 : i32
    %scan3A_124 = arith.addi %scan3A_122, %scan3A_123 : i32
    %scan3A_125 = arith.constant 1 : i32
    scf.for %scan3A_276 = %scan3A_122 to %scan3A_124 step %scan3A_125  : i32 {
      %mul3A_277 = arith.constant 10 : i32
      %mul3A_278 = arith.muli %scan3A_276, %mul3A_277 : i32
      %add3A_279 = arith.constant 0 : i32
      %add3A_280 = arith.addi %mul3A_278, %add3A_279 : i32
      %dma_wait3A_281 = arith.constant 0 : i32
      %dma_wait3A_282 = arith.constant 0 : i32
      %dma_wait3A_283 = arith.constant 0 : i32
      %dma_wait3A_284 = tpu.memref_slice %arg6[%dma_wait3A_281, %dma_wait3A_282, %dma_wait3A_283] : memref<10x64x128xf32, #tpu.memory_space<vmem>> -> memref<1x64x128xf32, #tpu.memory_space<vmem>>
      %dma_wait3A_285 = tpu.memref_squeeze %dma_wait3A_284 : memref<1x64x128xf32, #tpu.memory_space<vmem>> -> memref<64x128xf32, #tpu.memory_space<vmem>>
      %dma_wait3A_286 = arith.constant 0 : i32
      %dma_wait3A_287 = tpu.memref_slice %arg5[%add3A_280, %dma_wait3A_286] : memref<100x64xi32, #tpu.memory_space<vmem>> -> memref<1x64xi32, #tpu.memory_space<vmem>>
      %dma_wait3A_288 = tpu.memref_squeeze %dma_wait3A_287 : memref<1x64xi32, #tpu.memory_space<vmem>> -> memref<64xi32, #tpu.memory_space<vmem>>
      %dma_wait3A_289 = arith.constant 0 : i32
      %dma_wait3A_290 = arith.constant 0 : i32
      %dma_wait3A_291 = tpu.memref_slice %arg3[%dma_wait3A_289, %dma_wait3A_290] : memref<100000x128xf32, #tpu.memory_space<hbm>> -> memref<100000x128xf32, #tpu.memory_space<hbm>>
      tpu.wait_indirect_dma semaphore(%arg7 : memref<!tpu.dma_semaphore, #tpu.memory_space<semaphore_mem>>) src(%dma_wait3A_291 : memref<100000x128xf32, #tpu.memory_space<hbm>>) dst(%dma_wait3A_285 : memref<64x128xf32, #tpu.memory_space<vmem>>)
      %mul3A_292 = arith.constant 64 : i32
      %mul3A_293 = arith.muli %add3A_280, %mul3A_292 : i32
      %add3A_294 = arith.addi %mul3A_2, %mul3A_293 : i32
      %dma_start3A_295 = arith.constant 0 : i32
      %dma_start3A_296 = arith.constant 0 : i32
      %dma_start3A_297 = arith.constant 0 : i32
      %dma_start3A_298 = tpu.memref_slice %arg6[%dma_start3A_295, %dma_start3A_296, %dma_start3A_297] : memref<10x64x128xf32, #tpu.memory_space<vmem>> -> memref<1x64x128xf32, #tpu.memory_space<vmem>>
      %dma_start3A_299 = tpu.memref_squeeze %dma_start3A_298 : memref<1x64x128xf32, #tpu.memory_space<vmem>> -> memref<64x128xf32, #tpu.memory_space<vmem>>
      %dma_start3A_300 = arith.constant 0 : i32
      %dma_start3A_301 = tpu.memref_slice %arg4[%add3A_294, %dma_start3A_300] : memref<204800x128xf32, #tpu.memory_space<hbm>> -> memref<64x128xf32, #tpu.memory_space<hbm>>
      %dma_start3A_302 = arith.constant 0 : i32
      %dma_start3A_303 = tpu.memref_slice %arg4[%add3A_294, %dma_start3A_302] : memref<204800x128xf32, #tpu.memory_space<hbm>> -> memref<64x128xf32, #tpu.memory_space<hbm>>
      %dma_start3A_304 = arith.constant 0 : i32
      %dma_start3A_305 = arith.constant 0 : i32
      %dma_start3A_306 = tpu.memref_slice %arg6[%dma_start3A_295, %dma_start3A_304, %dma_start3A_305] : memref<10x64x128xf32, #tpu.memory_space<vmem>> -> memref<1x64x128xf32, #tpu.memory_space<vmem>>
      %dma_start3A_307 = tpu.memref_squeeze %dma_start3A_306 : memref<1x64x128xf32, #tpu.memory_space<vmem>> -> memref<64x128xf32, #tpu.memory_space<vmem>>
      tpu.enqueue_dma source(%dma_start3A_307 : memref<64x128xf32, #tpu.memory_space<vmem>>) target(%dma_start3A_303 : memref<64x128xf32, #tpu.memory_space<hbm>>) target_semaphore(%arg17 : memref<!tpu.dma_semaphore, #tpu.memory_space<semaphore_mem>>)
      %add3A_308 = arith.constant 10 : i32
      %add3A_309 = arith.addi %add3A_280, %add3A_308 : i32
      %lt3A = arith.constant 100 : i32
      %lt3A_310 = arith.cmpi slt, %add3A_309, %lt3A : i32
      %convert_element_type3A = arith.extui %lt3A_310 : i1 to i32
      %cond3A = arith.constant 0 : i32
      %cond3A_311 = arith.cmpi ne, %convert_element_type3A, %cond3A : i32
      scf.if %cond3A_311 {
        %mul3A_636 = arith.constant 64 : i32
        %mul3A_637 = arith.muli %add3A_280, %mul3A_636 : i32
        %add3A_638 = arith.addi %mul3A_2, %mul3A_637 : i32
        %dma_wait3A_639 = arith.constant 0 : i32
        %dma_wait3A_640 = arith.constant 0 : i32
        %dma_wait3A_641 = arith.constant 0 : i32
        %dma_wait3A_642 = tpu.memref_slice %arg6[%dma_wait3A_639, %dma_wait3A_640, %dma_wait3A_641] : memref<10x64x128xf32, #tpu.memory_space<vmem>> -> memref<1x64x128xf32, #tpu.memory_space<vmem>>
        %dma_wait3A_643 = tpu.memref_squeeze %dma_wait3A_642 : memref<1x64x128xf32, #tpu.memory_space<vmem>> -> memref<64x128xf32, #tpu.memory_space<vmem>>
        %dma_wait3A_644 = arith.constant 0 : i32
        %dma_wait3A_645 = tpu.memref_slice %arg4[%add3A_638, %dma_wait3A_644] : memref<204800x128xf32, #tpu.memory_space<hbm>> -> memref<64x128xf32, #tpu.memory_space<hbm>>
        %dma_wait3A_646 = arith.constant 0 : i32
        %dma_wait3A_647 = tpu.memref_slice %arg4[%add3A_638, %dma_wait3A_646] : memref<204800x128xf32, #tpu.memory_space<hbm>> -> memref<64x128xf32, #tpu.memory_space<hbm>>
        %dma_wait3A_648 = arith.constant 0 : i32
        %dma_wait3A_649 = arith.constant 0 : i32
        %dma_wait3A_650 = tpu.memref_slice %arg6[%dma_wait3A_639, %dma_wait3A_648, %dma_wait3A_649] : memref<10x64x128xf32, #tpu.memory_space<vmem>> -> memref<1x64x128xf32, #tpu.memory_space<vmem>>
        %dma_wait3A_651 = tpu.memref_squeeze %dma_wait3A_650 : memref<1x64x128xf32, #tpu.memory_space<vmem>> -> memref<64x128xf32, #tpu.memory_space<vmem>>
        tpu.wait_dma2 semaphore(%arg17 : memref<!tpu.dma_semaphore, #tpu.memory_space<semaphore_mem>>) src(%dma_wait3A_651 : memref<64x128xf32, #tpu.memory_space<vmem>>) dst(%dma_wait3A_647 : memref<64x128xf32, #tpu.memory_space<hbm>>)
        %add3A_652 = arith.constant 10 : i32
        %add3A_653 = arith.addi %add3A_280, %add3A_652 : i32
        %dma_start3A_654 = arith.constant 0 : i32
        %dma_start3A_655 = arith.constant 0 : i32
        %dma_start3A_656 = arith.constant 0 : i32
        %dma_start3A_657 = tpu.memref_slice %arg6[%dma_start3A_654, %dma_start3A_655, %dma_start3A_656] : memref<10x64x128xf32, #tpu.memory_space<vmem>> -> memref<1x64x128xf32, #tpu.memory_space<vmem>>
        %dma_start3A_658 = tpu.memref_squeeze %dma_start3A_657 : memref<1x64x128xf32, #tpu.memory_space<vmem>> -> memref<64x128xf32, #tpu.memory_space<vmem>>
        %dma_start3A_659 = arith.constant 0 : i32
        %dma_start3A_660 = tpu.memref_slice %arg5[%add3A_653, %dma_start3A_659] : memref<100x64xi32, #tpu.memory_space<vmem>> -> memref<1x64xi32, #tpu.memory_space<vmem>>
        %dma_start3A_661 = tpu.memref_squeeze %dma_start3A_660 : memref<1x64xi32, #tpu.memory_space<vmem>> -> memref<64xi32, #tpu.memory_space<vmem>>
        %dma_start3A_662 = arith.constant 0 : i32
        %dma_start3A_663 = arith.constant 0 : i32
        %dma_start3A_664 = tpu.memref_slice %arg3[%dma_start3A_662, %dma_start3A_663] : memref<100000x128xf32, #tpu.memory_space<hbm>> -> memref<100000x128xf32, #tpu.memory_space<hbm>>
        tpu.enqueue_indirect_dma source(%dma_start3A_664 : memref<100000x128xf32, #tpu.memory_space<hbm>>) target(%dma_start3A_658 : memref<64x128xf32, #tpu.memory_space<vmem>>) offsets(%dma_start3A_661 : memref<64xi32, #tpu.memory_space<vmem>>) semaphore(%arg7 : memref<!tpu.dma_semaphore, #tpu.memory_space<semaphore_mem>>)
      } else {
      }
      %add3A_312 = arith.constant 1 : i32
      %add3A_313 = arith.addi %mul3A_278, %add3A_312 : i32
      %dma_wait3A_314 = arith.constant 1 : i32
      %dma_wait3A_315 = arith.constant 0 : i32
      %dma_wait3A_316 = arith.constant 0 : i32
      %dma_wait3A_317 = tpu.memref_slice %arg6[%dma_wait3A_314, %dma_wait3A_315, %dma_wait3A_316] : memref<10x64x128xf32, #tpu.memory_space<vmem>> -> memref<1x64x128xf32, #tpu.memory_space<vmem>>
      %dma_wait3A_318 = tpu.memref_squeeze %dma_wait3A_317 : memref<1x64x128xf32, #tpu.memory_space<vmem>> -> memref<64x128xf32, #tpu.memory_space<vmem>>
      %dma_wait3A_319 = arith.constant 0 : i32
      %dma_wait3A_320 = tpu.memref_slice %arg5[%add3A_313, %dma_wait3A_319] : memref<100x64xi32, #tpu.memory_space<vmem>> -> memref<1x64xi32, #tpu.memory_space<vmem>>
      %dma_wait3A_321 = tpu.memref_squeeze %dma_wait3A_320 : memref<1x64xi32, #tpu.memory_space<vmem>> -> memref<64xi32, #tpu.memory_space<vmem>>
      %dma_wait3A_322 = arith.constant 0 : i32
      %dma_wait3A_323 = arith.constant 0 : i32
      %dma_wait3A_324 = tpu.memref_slice %arg3[%dma_wait3A_322, %dma_wait3A_323] : memref<100000x128xf32, #tpu.memory_space<hbm>> -> memref<100000x128xf32, #tpu.memory_space<hbm>>
      tpu.wait_indirect_dma semaphore(%arg8 : memref<!tpu.dma_semaphore, #tpu.memory_space<semaphore_mem>>) src(%dma_wait3A_324 : memref<100000x128xf32, #tpu.memory_space<hbm>>) dst(%dma_wait3A_318 : memref<64x128xf32, #tpu.memory_space<vmem>>)
      %mul3A_325 = arith.constant 64 : i32
      %mul3A_326 = arith.muli %add3A_313, %mul3A_325 : i32
      %add3A_327 = arith.addi %mul3A_2, %mul3A_326 : i32
      %dma_start3A_328 = arith.constant 1 : i32
      %dma_start3A_329 = arith.constant 0 : i32
      %dma_start3A_330 = arith.constant 0 : i32
      %dma_start3A_331 = tpu.memref_slice %arg6[%dma_start3A_328, %dma_start3A_329, %dma_start3A_330] : memref<10x64x128xf32, #tpu.memory_space<vmem>> -> memref<1x64x128xf32, #tpu.memory_space<vmem>>
      %dma_start3A_332 = tpu.memref_squeeze %dma_start3A_331 : memref<1x64x128xf32, #tpu.memory_space<vmem>> -> memref<64x128xf32, #tpu.memory_space<vmem>>
      %dma_start3A_333 = arith.constant 0 : i32
      %dma_start3A_334 = tpu.memref_slice %arg4[%add3A_327, %dma_start3A_333] : memref<204800x128xf32, #tpu.memory_space<hbm>> -> memref<64x128xf32, #tpu.memory_space<hbm>>
      %dma_start3A_335 = arith.constant 0 : i32
      %dma_start3A_336 = tpu.memref_slice %arg4[%add3A_327, %dma_start3A_335] : memref<204800x128xf32, #tpu.memory_space<hbm>> -> memref<64x128xf32, #tpu.memory_space<hbm>>
      %dma_start3A_337 = arith.constant 0 : i32
      %dma_start3A_338 = arith.constant 0 : i32
      %dma_start3A_339 = tpu.memref_slice %arg6[%dma_start3A_328, %dma_start3A_337, %dma_start3A_338] : memref<10x64x128xf32, #tpu.memory_space<vmem>> -> memref<1x64x128xf32, #tpu.memory_space<vmem>>
      %dma_start3A_340 = tpu.memref_squeeze %dma_start3A_339 : memref<1x64x128xf32, #tpu.memory_space<vmem>> -> memref<64x128xf32, #tpu.memory_space<vmem>>
      tpu.enqueue_dma source(%dma_start3A_340 : memref<64x128xf32, #tpu.memory_space<vmem>>) target(%dma_start3A_336 : memref<64x128xf32, #tpu.memory_space<hbm>>) target_semaphore(%arg18 : memref<!tpu.dma_semaphore, #tpu.memory_space<semaphore_mem>>)
      %add3A_341 = arith.constant 10 : i32
      %add3A_342 = arith.addi %add3A_313, %add3A_341 : i32
      %lt3A_343 = arith.constant 100 : i32
      %lt3A_344 = arith.cmpi slt, %add3A_342, %lt3A_343 : i32
      %convert_element_type3A_345 = arith.extui %lt3A_344 : i1 to i32
      %cond3A_346 = arith.constant 0 : i32
      %cond3A_347 = arith.cmpi ne, %convert_element_type3A_345, %cond3A_346 : i32
      scf.if %cond3A_347 {
        %mul3A_636 = arith.constant 64 : i32
        %mul3A_637 = arith.muli %add3A_313, %mul3A_636 : i32
        %add3A_638 = arith.addi %mul3A_2, %mul3A_637 : i32
        %dma_wait3A_639 = arith.constant 1 : i32
        %dma_wait3A_640 = arith.constant 0 : i32
        %dma_wait3A_641 = arith.constant 0 : i32
        %dma_wait3A_642 = tpu.memref_slice %arg6[%dma_wait3A_639, %dma_wait3A_640, %dma_wait3A_641] : memref<10x64x128xf32, #tpu.memory_space<vmem>> -> memref<1x64x128xf32, #tpu.memory_space<vmem>>
        %dma_wait3A_643 = tpu.memref_squeeze %dma_wait3A_642 : memref<1x64x128xf32, #tpu.memory_space<vmem>> -> memref<64x128xf32, #tpu.memory_space<vmem>>
        %dma_wait3A_644 = arith.constant 0 : i32
        %dma_wait3A_645 = tpu.memref_slice %arg4[%add3A_638, %dma_wait3A_644] : memref<204800x128xf32, #tpu.memory_space<hbm>> -> memref<64x128xf32, #tpu.memory_space<hbm>>
        %dma_wait3A_646 = arith.constant 0 : i32
        %dma_wait3A_647 = tpu.memref_slice %arg4[%add3A_638, %dma_wait3A_646] : memref<204800x128xf32, #tpu.memory_space<hbm>> -> memref<64x128xf32, #tpu.memory_space<hbm>>
        %dma_wait3A_648 = arith.constant 0 : i32
        %dma_wait3A_649 = arith.constant 0 : i32
        %dma_wait3A_650 = tpu.memref_slice %arg6[%dma_wait3A_639, %dma_wait3A_648, %dma_wait3A_649] : memref<10x64x128xf32, #tpu.memory_space<vmem>> -> memref<1x64x128xf32, #tpu.memory_space<vmem>>
        %dma_wait3A_651 = tpu.memref_squeeze %dma_wait3A_650 : memref<1x64x128xf32, #tpu.memory_space<vmem>> -> memref<64x128xf32, #tpu.memory_space<vmem>>
        tpu.wait_dma2 semaphore(%arg18 : memref<!tpu.dma_semaphore, #tpu.memory_space<semaphore_mem>>) src(%dma_wait3A_651 : memref<64x128xf32, #tpu.memory_space<vmem>>) dst(%dma_wait3A_647 : memref<64x128xf32, #tpu.memory_space<hbm>>)
        %add3A_652 = arith.constant 10 : i32
        %add3A_653 = arith.addi %add3A_313, %add3A_652 : i32
        %dma_start3A_654 = arith.constant 1 : i32
        %dma_start3A_655 = arith.constant 0 : i32
        %dma_start3A_656 = arith.constant 0 : i32
        %dma_start3A_657 = tpu.memref_slice %arg6[%dma_start3A_654, %dma_start3A_655, %dma_start3A_656] : memref<10x64x128xf32, #tpu.memory_space<vmem>> -> memref<1x64x128xf32, #tpu.memory_space<vmem>>
        %dma_start3A_658 = tpu.memref_squeeze %dma_start3A_657 : memref<1x64x128xf32, #tpu.memory_space<vmem>> -> memref<64x128xf32, #tpu.memory_space<vmem>>
        %dma_start3A_659 = arith.constant 0 : i32
        %dma_start3A_660 = tpu.memref_slice %arg5[%add3A_653, %dma_start3A_659] : memref<100x64xi32, #tpu.memory_space<vmem>> -> memref<1x64xi32, #tpu.memory_space<vmem>>
        %dma_start3A_661 = tpu.memref_squeeze %dma_start3A_660 : memref<1x64xi32, #tpu.memory_space<vmem>> -> memref<64xi32, #tpu.memory_space<vmem>>
        %dma_start3A_662 = arith.constant 0 : i32
        %dma_start3A_663 = arith.constant 0 : i32
        %dma_start3A_664 = tpu.memref_slice %arg3[%dma_start3A_662, %dma_start3A_663] : memref<100000x128xf32, #tpu.memory_space<hbm>> -> memref<100000x128xf32, #tpu.memory_space<hbm>>
        tpu.enqueue_indirect_dma source(%dma_start3A_664 : memref<100000x128xf32, #tpu.memory_space<hbm>>) target(%dma_start3A_658 : memref<64x128xf32, #tpu.memory_space<vmem>>) offsets(%dma_start3A_661 : memref<64xi32, #tpu.memory_space<vmem>>) semaphore(%arg8 : memref<!tpu.dma_semaphore, #tpu.memory_space<semaphore_mem>>)
      } else {
      }
      %add3A_348 = arith.constant 2 : i32
      %add3A_349 = arith.addi %mul3A_278, %add3A_348 : i32
      %dma_wait3A_350 = arith.constant 2 : i32
      %dma_wait3A_351 = arith.constant 0 : i32
      %dma_wait3A_352 = arith.constant 0 : i32
      %dma_wait3A_353 = tpu.memref_slice %arg6[%dma_wait3A_350, %dma_wait3A_351, %dma_wait3A_352] : memref<10x64x128xf32, #tpu.memory_space<vmem>> -> memref<1x64x128xf32, #tpu.memory_space<vmem>>
      %dma_wait3A_354 = tpu.memref_squeeze %dma_wait3A_353 : memref<1x64x128xf32, #tpu.memory_space<vmem>> -> memref<64x128xf32, #tpu.memory_space<vmem>>
      %dma_wait3A_355 = arith.constant 0 : i32
      %dma_wait3A_356 = tpu.memref_slice %arg5[%add3A_349, %dma_wait3A_355] : memref<100x64xi32, #tpu.memory_space<vmem>> -> memref<1x64xi32, #tpu.memory_space<vmem>>
      %dma_wait3A_357 = tpu.memref_squeeze %dma_wait3A_356 : memref<1x64xi32, #tpu.memory_space<vmem>> -> memref<64xi32, #tpu.memory_space<vmem>>
      %dma_wait3A_358 = arith.constant 0 : i32
      %dma_wait3A_359 = arith.constant 0 : i32
      %dma_wait3A_360 = tpu.memref_slice %arg3[%dma_wait3A_358, %dma_wait3A_359] : memref<100000x128xf32, #tpu.memory_space<hbm>> -> memref<100000x128xf32, #tpu.memory_space<hbm>>
      tpu.wait_indirect_dma semaphore(%arg9 : memref<!tpu.dma_semaphore, #tpu.memory_space<semaphore_mem>>) src(%dma_wait3A_360 : memref<100000x128xf32, #tpu.memory_space<hbm>>) dst(%dma_wait3A_354 : memref<64x128xf32, #tpu.memory_space<vmem>>)
      %mul3A_361 = arith.constant 64 : i32
      %mul3A_362 = arith.muli %add3A_349, %mul3A_361 : i32
      %add3A_363 = arith.addi %mul3A_2, %mul3A_362 : i32
      %dma_start3A_364 = arith.constant 2 : i32
      %dma_start3A_365 = arith.constant 0 : i32
      %dma_start3A_366 = arith.constant 0 : i32
      %dma_start3A_367 = tpu.memref_slice %arg6[%dma_start3A_364, %dma_start3A_365, %dma_start3A_366] : memref<10x64x128xf32, #tpu.memory_space<vmem>> -> memref<1x64x128xf32, #tpu.memory_space<vmem>>
      %dma_start3A_368 = tpu.memref_squeeze %dma_start3A_367 : memref<1x64x128xf32, #tpu.memory_space<vmem>> -> memref<64x128xf32, #tpu.memory_space<vmem>>
      %dma_start3A_369 = arith.constant 0 : i32
      %dma_start3A_370 = tpu.memref_slice %arg4[%add3A_363, %dma_start3A_369] : memref<204800x128xf32, #tpu.memory_space<hbm>> -> memref<64x128xf32, #tpu.memory_space<hbm>>
      %dma_start3A_371 = arith.constant 0 : i32
      %dma_start3A_372 = tpu.memref_slice %arg4[%add3A_363, %dma_start3A_371] : memref<204800x128xf32, #tpu.memory_space<hbm>> -> memref<64x128xf32, #tpu.memory_space<hbm>>
      %dma_start3A_373 = arith.constant 0 : i32
      %dma_start3A_374 = arith.constant 0 : i32
      %dma_start3A_375 = tpu.memref_slice %arg6[%dma_start3A_364, %dma_start3A_373, %dma_start3A_374] : memref<10x64x128xf32, #tpu.memory_space<vmem>> -> memref<1x64x128xf32, #tpu.memory_space<vmem>>
      %dma_start3A_376 = tpu.memref_squeeze %dma_start3A_375 : memref<1x64x128xf32, #tpu.memory_space<vmem>> -> memref<64x128xf32, #tpu.memory_space<vmem>>
      tpu.enqueue_dma source(%dma_start3A_376 : memref<64x128xf32, #tpu.memory_space<vmem>>) target(%dma_start3A_372 : memref<64x128xf32, #tpu.memory_space<hbm>>) target_semaphore(%arg19 : memref<!tpu.dma_semaphore, #tpu.memory_space<semaphore_mem>>)
      %add3A_377 = arith.constant 10 : i32
      %add3A_378 = arith.addi %add3A_349, %add3A_377 : i32
      %lt3A_379 = arith.constant 100 : i32
      %lt3A_380 = arith.cmpi slt, %add3A_378, %lt3A_379 : i32
      %convert_element_type3A_381 = arith.extui %lt3A_380 : i1 to i32
      %cond3A_382 = arith.constant 0 : i32
      %cond3A_383 = arith.cmpi ne, %convert_element_type3A_381, %cond3A_382 : i32
      scf.if %cond3A_383 {
        %mul3A_636 = arith.constant 64 : i32
        %mul3A_637 = arith.muli %add3A_349, %mul3A_636 : i32
        %add3A_638 = arith.addi %mul3A_2, %mul3A_637 : i32
        %dma_wait3A_639 = arith.constant 2 : i32
        %dma_wait3A_640 = arith.constant 0 : i32
        %dma_wait3A_641 = arith.constant 0 : i32
        %dma_wait3A_642 = tpu.memref_slice %arg6[%dma_wait3A_639, %dma_wait3A_640, %dma_wait3A_641] : memref<10x64x128xf32, #tpu.memory_space<vmem>> -> memref<1x64x128xf32, #tpu.memory_space<vmem>>
        %dma_wait3A_643 = tpu.memref_squeeze %dma_wait3A_642 : memref<1x64x128xf32, #tpu.memory_space<vmem>> -> memref<64x128xf32, #tpu.memory_space<vmem>>
        %dma_wait3A_644 = arith.constant 0 : i32
        %dma_wait3A_645 = tpu.memref_slice %arg4[%add3A_638, %dma_wait3A_644] : memref<204800x128xf32, #tpu.memory_space<hbm>> -> memref<64x128xf32, #tpu.memory_space<hbm>>
        %dma_wait3A_646 = arith.constant 0 : i32
        %dma_wait3A_647 = tpu.memref_slice %arg4[%add3A_638, %dma_wait3A_646] : memref<204800x128xf32, #tpu.memory_space<hbm>> -> memref<64x128xf32, #tpu.memory_space<hbm>>
        %dma_wait3A_648 = arith.constant 0 : i32
        %dma_wait3A_649 = arith.constant 0 : i32
        %dma_wait3A_650 = tpu.memref_slice %arg6[%dma_wait3A_639, %dma_wait3A_648, %dma_wait3A_649] : memref<10x64x128xf32, #tpu.memory_space<vmem>> -> memref<1x64x128xf32, #tpu.memory_space<vmem>>
        %dma_wait3A_651 = tpu.memref_squeeze %dma_wait3A_650 : memref<1x64x128xf32, #tpu.memory_space<vmem>> -> memref<64x128xf32, #tpu.memory_space<vmem>>
        tpu.wait_dma2 semaphore(%arg19 : memref<!tpu.dma_semaphore, #tpu.memory_space<semaphore_mem>>) src(%dma_wait3A_651 : memref<64x128xf32, #tpu.memory_space<vmem>>) dst(%dma_wait3A_647 : memref<64x128xf32, #tpu.memory_space<hbm>>)
        %add3A_652 = arith.constant 10 : i32
        %add3A_653 = arith.addi %add3A_349, %add3A_652 : i32
        %dma_start3A_654 = arith.constant 2 : i32
        %dma_start3A_655 = arith.constant 0 : i32
        %dma_start3A_656 = arith.constant 0 : i32
        %dma_start3A_657 = tpu.memref_slice %arg6[%dma_start3A_654, %dma_start3A_655, %dma_start3A_656] : memref<10x64x128xf32, #tpu.memory_space<vmem>> -> memref<1x64x128xf32, #tpu.memory_space<vmem>>
        %dma_start3A_658 = tpu.memref_squeeze %dma_start3A_657 : memref<1x64x128xf32, #tpu.memory_space<vmem>> -> memref<64x128xf32, #tpu.memory_space<vmem>>
        %dma_start3A_659 = arith.constant 0 : i32
        %dma_start3A_660 = tpu.memref_slice %arg5[%add3A_653, %dma_start3A_659] : memref<100x64xi32, #tpu.memory_space<vmem>> -> memref<1x64xi32, #tpu.memory_space<vmem>>
        %dma_start3A_661 = tpu.memref_squeeze %dma_start3A_660 : memref<1x64xi32, #tpu.memory_space<vmem>> -> memref<64xi32, #tpu.memory_space<vmem>>
        %dma_start3A_662 = arith.constant 0 : i32
        %dma_start3A_663 = arith.constant 0 : i32
        %dma_start3A_664 = tpu.memref_slice %arg3[%dma_start3A_662, %dma_start3A_663] : memref<100000x128xf32, #tpu.memory_space<hbm>> -> memref<100000x128xf32, #tpu.memory_space<hbm>>
        tpu.enqueue_indirect_dma source(%dma_start3A_664 : memref<100000x128xf32, #tpu.memory_space<hbm>>) target(%dma_start3A_658 : memref<64x128xf32, #tpu.memory_space<vmem>>) offsets(%dma_start3A_661 : memref<64xi32, #tpu.memory_space<vmem>>) semaphore(%arg9 : memref<!tpu.dma_semaphore, #tpu.memory_space<semaphore_mem>>)
      } else {
      }
      %add3A_384 = arith.constant 3 : i32
      %add3A_385 = arith.addi %mul3A_278, %add3A_384 : i32
      %dma_wait3A_386 = arith.constant 3 : i32
      %dma_wait3A_387 = arith.constant 0 : i32
      %dma_wait3A_388 = arith.constant 0 : i32
      %dma_wait3A_389 = tpu.memref_slice %arg6[%dma_wait3A_386, %dma_wait3A_387, %dma_wait3A_388] : memref<10x64x128xf32, #tpu.memory_space<vmem>> -> memref<1x64x128xf32, #tpu.memory_space<vmem>>
      %dma_wait3A_390 = tpu.memref_squeeze %dma_wait3A_389 : memref<1x64x128xf32, #tpu.memory_space<vmem>> -> memref<64x128xf32, #tpu.memory_space<vmem>>
      %dma_wait3A_391 = arith.constant 0 : i32
      %dma_wait3A_392 = tpu.memref_slice %arg5[%add3A_385, %dma_wait3A_391] : memref<100x64xi32, #tpu.memory_space<vmem>> -> memref<1x64xi32, #tpu.memory_space<vmem>>
      %dma_wait3A_393 = tpu.memref_squeeze %dma_wait3A_392 : memref<1x64xi32, #tpu.memory_space<vmem>> -> memref<64xi32, #tpu.memory_space<vmem>>
      %dma_wait3A_394 = arith.constant 0 : i32
      %dma_wait3A_395 = arith.constant 0 : i32
      %dma_wait3A_396 = tpu.memref_slice %arg3[%dma_wait3A_394, %dma_wait3A_395] : memref<100000x128xf32, #tpu.memory_space<hbm>> -> memref<100000x128xf32, #tpu.memory_space<hbm>>
      tpu.wait_indirect_dma semaphore(%arg10 : memref<!tpu.dma_semaphore, #tpu.memory_space<semaphore_mem>>) src(%dma_wait3A_396 : memref<100000x128xf32, #tpu.memory_space<hbm>>) dst(%dma_wait3A_390 : memref<64x128xf32, #tpu.memory_space<vmem>>)
      %mul3A_397 = arith.constant 64 : i32
      %mul3A_398 = arith.muli %add3A_385, %mul3A_397 : i32
      %add3A_399 = arith.addi %mul3A_2, %mul3A_398 : i32
      %dma_start3A_400 = arith.constant 3 : i32
      %dma_start3A_401 = arith.constant 0 : i32
      %dma_start3A_402 = arith.constant 0 : i32
      %dma_start3A_403 = tpu.memref_slice %arg6[%dma_start3A_400, %dma_start3A_401, %dma_start3A_402] : memref<10x64x128xf32, #tpu.memory_space<vmem>> -> memref<1x64x128xf32, #tpu.memory_space<vmem>>
      %dma_start3A_404 = tpu.memref_squeeze %dma_start3A_403 : memref<1x64x128xf32, #tpu.memory_space<vmem>> -> memref<64x128xf32, #tpu.memory_space<vmem>>
      %dma_start3A_405 = arith.constant 0 : i32
      %dma_start3A_406 = tpu.memref_slice %arg4[%add3A_399, %dma_start3A_405] : memref<204800x128xf32, #tpu.memory_space<hbm>> -> memref<64x128xf32, #tpu.memory_space<hbm>>
      %dma_start3A_407 = arith.constant 0 : i32
      %dma_start3A_408 = tpu.memref_slice %arg4[%add3A_399, %dma_start3A_407] : memref<204800x128xf32, #tpu.memory_space<hbm>> -> memref<64x128xf32, #tpu.memory_space<hbm>>
      %dma_start3A_409 = arith.constant 0 : i32
      %dma_start3A_410 = arith.constant 0 : i32
      %dma_start3A_411 = tpu.memref_slice %arg6[%dma_start3A_400, %dma_start3A_409, %dma_start3A_410] : memref<10x64x128xf32, #tpu.memory_space<vmem>> -> memref<1x64x128xf32, #tpu.memory_space<vmem>>
      %dma_start3A_412 = tpu.memref_squeeze %dma_start3A_411 : memref<1x64x128xf32, #tpu.memory_space<vmem>> -> memref<64x128xf32, #tpu.memory_space<vmem>>
      tpu.enqueue_dma source(%dma_start3A_412 : memref<64x128xf32, #tpu.memory_space<vmem>>) target(%dma_start3A_408 : memref<64x128xf32, #tpu.memory_space<hbm>>) target_semaphore(%arg20 : memref<!tpu.dma_semaphore, #tpu.memory_space<semaphore_mem>>)
      %add3A_413 = arith.constant 10 : i32
      %add3A_414 = arith.addi %add3A_385, %add3A_413 : i32
      %lt3A_415 = arith.constant 100 : i32
      %lt3A_416 = arith.cmpi slt, %add3A_414, %lt3A_415 : i32
      %convert_element_type3A_417 = arith.extui %lt3A_416 : i1 to i32
      %cond3A_418 = arith.constant 0 : i32
      %cond3A_419 = arith.cmpi ne, %convert_element_type3A_417, %cond3A_418 : i32
      scf.if %cond3A_419 {
        %mul3A_636 = arith.constant 64 : i32
        %mul3A_637 = arith.muli %add3A_385, %mul3A_636 : i32
        %add3A_638 = arith.addi %mul3A_2, %mul3A_637 : i32
        %dma_wait3A_639 = arith.constant 3 : i32
        %dma_wait3A_640 = arith.constant 0 : i32
        %dma_wait3A_641 = arith.constant 0 : i32
        %dma_wait3A_642 = tpu.memref_slice %arg6[%dma_wait3A_639, %dma_wait3A_640, %dma_wait3A_641] : memref<10x64x128xf32, #tpu.memory_space<vmem>> -> memref<1x64x128xf32, #tpu.memory_space<vmem>>
        %dma_wait3A_643 = tpu.memref_squeeze %dma_wait3A_642 : memref<1x64x128xf32, #tpu.memory_space<vmem>> -> memref<64x128xf32, #tpu.memory_space<vmem>>
        %dma_wait3A_644 = arith.constant 0 : i32
        %dma_wait3A_645 = tpu.memref_slice %arg4[%add3A_638, %dma_wait3A_644] : memref<204800x128xf32, #tpu.memory_space<hbm>> -> memref<64x128xf32, #tpu.memory_space<hbm>>
        %dma_wait3A_646 = arith.constant 0 : i32
        %dma_wait3A_647 = tpu.memref_slice %arg4[%add3A_638, %dma_wait3A_646] : memref<204800x128xf32, #tpu.memory_space<hbm>> -> memref<64x128xf32, #tpu.memory_space<hbm>>
        %dma_wait3A_648 = arith.constant 0 : i32
        %dma_wait3A_649 = arith.constant 0 : i32
        %dma_wait3A_650 = tpu.memref_slice %arg6[%dma_wait3A_639, %dma_wait3A_648, %dma_wait3A_649] : memref<10x64x128xf32, #tpu.memory_space<vmem>> -> memref<1x64x128xf32, #tpu.memory_space<vmem>>
        %dma_wait3A_651 = tpu.memref_squeeze %dma_wait3A_650 : memref<1x64x128xf32, #tpu.memory_space<vmem>> -> memref<64x128xf32, #tpu.memory_space<vmem>>
        tpu.wait_dma2 semaphore(%arg20 : memref<!tpu.dma_semaphore, #tpu.memory_space<semaphore_mem>>) src(%dma_wait3A_651 : memref<64x128xf32, #tpu.memory_space<vmem>>) dst(%dma_wait3A_647 : memref<64x128xf32, #tpu.memory_space<hbm>>)
        %add3A_652 = arith.constant 10 : i32
        %add3A_653 = arith.addi %add3A_385, %add3A_652 : i32
        %dma_start3A_654 = arith.constant 3 : i32
        %dma_start3A_655 = arith.constant 0 : i32
        %dma_start3A_656 = arith.constant 0 : i32
        %dma_start3A_657 = tpu.memref_slice %arg6[%dma_start3A_654, %dma_start3A_655, %dma_start3A_656] : memref<10x64x128xf32, #tpu.memory_space<vmem>> -> memref<1x64x128xf32, #tpu.memory_space<vmem>>
        %dma_start3A_658 = tpu.memref_squeeze %dma_start3A_657 : memref<1x64x128xf32, #tpu.memory_space<vmem>> -> memref<64x128xf32, #tpu.memory_space<vmem>>
        %dma_start3A_659 = arith.constant 0 : i32
        %dma_start3A_660 = tpu.memref_slice %arg5[%add3A_653, %dma_start3A_659] : memref<100x64xi32, #tpu.memory_space<vmem>> -> memref<1x64xi32, #tpu.memory_space<vmem>>
        %dma_start3A_661 = tpu.memref_squeeze %dma_start3A_660 : memref<1x64xi32, #tpu.memory_space<vmem>> -> memref<64xi32, #tpu.memory_space<vmem>>
        %dma_start3A_662 = arith.constant 0 : i32
        %dma_start3A_663 = arith.constant 0 : i32
        %dma_start3A_664 = tpu.memref_slice %arg3[%dma_start3A_662, %dma_start3A_663] : memref<100000x128xf32, #tpu.memory_space<hbm>> -> memref<100000x128xf32, #tpu.memory_space<hbm>>
        tpu.enqueue_indirect_dma source(%dma_start3A_664 : memref<100000x128xf32, #tpu.memory_space<hbm>>) target(%dma_start3A_658 : memref<64x128xf32, #tpu.memory_space<vmem>>) offsets(%dma_start3A_661 : memref<64xi32, #tpu.memory_space<vmem>>) semaphore(%arg10 : memref<!tpu.dma_semaphore, #tpu.memory_space<semaphore_mem>>)
      } else {
      }
      %add3A_420 = arith.constant 4 : i32
      %add3A_421 = arith.addi %mul3A_278, %add3A_420 : i32
      %dma_wait3A_422 = arith.constant 4 : i32
      %dma_wait3A_423 = arith.constant 0 : i32
      %dma_wait3A_424 = arith.constant 0 : i32
      %dma_wait3A_425 = tpu.memref_slice %arg6[%dma_wait3A_422, %dma_wait3A_423, %dma_wait3A_424] : memref<10x64x128xf32, #tpu.memory_space<vmem>> -> memref<1x64x128xf32, #tpu.memory_space<vmem>>
      %dma_wait3A_426 = tpu.memref_squeeze %dma_wait3A_425 : memref<1x64x128xf32, #tpu.memory_space<vmem>> -> memref<64x128xf32, #tpu.memory_space<vmem>>
      %dma_wait3A_427 = arith.constant 0 : i32
      %dma_wait3A_428 = tpu.memref_slice %arg5[%add3A_421, %dma_wait3A_427] : memref<100x64xi32, #tpu.memory_space<vmem>> -> memref<1x64xi32, #tpu.memory_space<vmem>>
      %dma_wait3A_429 = tpu.memref_squeeze %dma_wait3A_428 : memref<1x64xi32, #tpu.memory_space<vmem>> -> memref<64xi32, #tpu.memory_space<vmem>>
      %dma_wait3A_430 = arith.constant 0 : i32
      %dma_wait3A_431 = arith.constant 0 : i32
      %dma_wait3A_432 = tpu.memref_slice %arg3[%dma_wait3A_430, %dma_wait3A_431] : memref<100000x128xf32, #tpu.memory_space<hbm>> -> memref<100000x128xf32, #tpu.memory_space<hbm>>
      tpu.wait_indirect_dma semaphore(%arg11 : memref<!tpu.dma_semaphore, #tpu.memory_space<semaphore_mem>>) src(%dma_wait3A_432 : memref<100000x128xf32, #tpu.memory_space<hbm>>) dst(%dma_wait3A_426 : memref<64x128xf32, #tpu.memory_space<vmem>>)
      %mul3A_433 = arith.constant 64 : i32
      %mul3A_434 = arith.muli %add3A_421, %mul3A_433 : i32
      %add3A_435 = arith.addi %mul3A_2, %mul3A_434 : i32
      %dma_start3A_436 = arith.constant 4 : i32
      %dma_start3A_437 = arith.constant 0 : i32
      %dma_start3A_438 = arith.constant 0 : i32
      %dma_start3A_439 = tpu.memref_slice %arg6[%dma_start3A_436, %dma_start3A_437, %dma_start3A_438] : memref<10x64x128xf32, #tpu.memory_space<vmem>> -> memref<1x64x128xf32, #tpu.memory_space<vmem>>
      %dma_start3A_440 = tpu.memref_squeeze %dma_start3A_439 : memref<1x64x128xf32, #tpu.memory_space<vmem>> -> memref<64x128xf32, #tpu.memory_space<vmem>>
      %dma_start3A_441 = arith.constant 0 : i32
      %dma_start3A_442 = tpu.memref_slice %arg4[%add3A_435, %dma_start3A_441] : memref<204800x128xf32, #tpu.memory_space<hbm>> -> memref<64x128xf32, #tpu.memory_space<hbm>>
      %dma_start3A_443 = arith.constant 0 : i32
      %dma_start3A_444 = tpu.memref_slice %arg4[%add3A_435, %dma_start3A_443] : memref<204800x128xf32, #tpu.memory_space<hbm>> -> memref<64x128xf32, #tpu.memory_space<hbm>>
      %dma_start3A_445 = arith.constant 0 : i32
      %dma_start3A_446 = arith.constant 0 : i32
      %dma_start3A_447 = tpu.memref_slice %arg6[%dma_start3A_436, %dma_start3A_445, %dma_start3A_446] : memref<10x64x128xf32, #tpu.memory_space<vmem>> -> memref<1x64x128xf32, #tpu.memory_space<vmem>>
      %dma_start3A_448 = tpu.memref_squeeze %dma_start3A_447 : memref<1x64x128xf32, #tpu.memory_space<vmem>> -> memref<64x128xf32, #tpu.memory_space<vmem>>
      tpu.enqueue_dma source(%dma_start3A_448 : memref<64x128xf32, #tpu.memory_space<vmem>>) target(%dma_start3A_444 : memref<64x128xf32, #tpu.memory_space<hbm>>) target_semaphore(%arg21 : memref<!tpu.dma_semaphore, #tpu.memory_space<semaphore_mem>>)
      %add3A_449 = arith.constant 10 : i32
      %add3A_450 = arith.addi %add3A_421, %add3A_449 : i32
      %lt3A_451 = arith.constant 100 : i32
      %lt3A_452 = arith.cmpi slt, %add3A_450, %lt3A_451 : i32
      %convert_element_type3A_453 = arith.extui %lt3A_452 : i1 to i32
      %cond3A_454 = arith.constant 0 : i32
      %cond3A_455 = arith.cmpi ne, %convert_element_type3A_453, %cond3A_454 : i32
      scf.if %cond3A_455 {
        %mul3A_636 = arith.constant 64 : i32
        %mul3A_637 = arith.muli %add3A_421, %mul3A_636 : i32
        %add3A_638 = arith.addi %mul3A_2, %mul3A_637 : i32
        %dma_wait3A_639 = arith.constant 4 : i32
        %dma_wait3A_640 = arith.constant 0 : i32
        %dma_wait3A_641 = arith.constant 0 : i32
        %dma_wait3A_642 = tpu.memref_slice %arg6[%dma_wait3A_639, %dma_wait3A_640, %dma_wait3A_641] : memref<10x64x128xf32, #tpu.memory_space<vmem>> -> memref<1x64x128xf32, #tpu.memory_space<vmem>>
        %dma_wait3A_643 = tpu.memref_squeeze %dma_wait3A_642 : memref<1x64x128xf32, #tpu.memory_space<vmem>> -> memref<64x128xf32, #tpu.memory_space<vmem>>
        %dma_wait3A_644 = arith.constant 0 : i32
        %dma_wait3A_645 = tpu.memref_slice %arg4[%add3A_638, %dma_wait3A_644] : memref<204800x128xf32, #tpu.memory_space<hbm>> -> memref<64x128xf32, #tpu.memory_space<hbm>>
        %dma_wait3A_646 = arith.constant 0 : i32
        %dma_wait3A_647 = tpu.memref_slice %arg4[%add3A_638, %dma_wait3A_646] : memref<204800x128xf32, #tpu.memory_space<hbm>> -> memref<64x128xf32, #tpu.memory_space<hbm>>
        %dma_wait3A_648 = arith.constant 0 : i32
        %dma_wait3A_649 = arith.constant 0 : i32
        %dma_wait3A_650 = tpu.memref_slice %arg6[%dma_wait3A_639, %dma_wait3A_648, %dma_wait3A_649] : memref<10x64x128xf32, #tpu.memory_space<vmem>> -> memref<1x64x128xf32, #tpu.memory_space<vmem>>
        %dma_wait3A_651 = tpu.memref_squeeze %dma_wait3A_650 : memref<1x64x128xf32, #tpu.memory_space<vmem>> -> memref<64x128xf32, #tpu.memory_space<vmem>>
        tpu.wait_dma2 semaphore(%arg21 : memref<!tpu.dma_semaphore, #tpu.memory_space<semaphore_mem>>) src(%dma_wait3A_651 : memref<64x128xf32, #tpu.memory_space<vmem>>) dst(%dma_wait3A_647 : memref<64x128xf32, #tpu.memory_space<hbm>>)
        %add3A_652 = arith.constant 10 : i32
        %add3A_653 = arith.addi %add3A_421, %add3A_652 : i32
        %dma_start3A_654 = arith.constant 4 : i32
        %dma_start3A_655 = arith.constant 0 : i32
        %dma_start3A_656 = arith.constant 0 : i32
        %dma_start3A_657 = tpu.memref_slice %arg6[%dma_start3A_654, %dma_start3A_655, %dma_start3A_656] : memref<10x64x128xf32, #tpu.memory_space<vmem>> -> memref<1x64x128xf32, #tpu.memory_space<vmem>>
        %dma_start3A_658 = tpu.memref_squeeze %dma_start3A_657 : memref<1x64x128xf32, #tpu.memory_space<vmem>> -> memref<64x128xf32, #tpu.memory_space<vmem>>
        %dma_start3A_659 = arith.constant 0 : i32
        %dma_start3A_660 = tpu.memref_slice %arg5[%add3A_653, %dma_start3A_659] : memref<100x64xi32, #tpu.memory_space<vmem>> -> memref<1x64xi32, #tpu.memory_space<vmem>>
        %dma_start3A_661 = tpu.memref_squeeze %dma_start3A_660 : memref<1x64xi32, #tpu.memory_space<vmem>> -> memref<64xi32, #tpu.memory_space<vmem>>
        %dma_start3A_662 = arith.constant 0 : i32
        %dma_start3A_663 = arith.constant 0 : i32
        %dma_start3A_664 = tpu.memref_slice %arg3[%dma_start3A_662, %dma_start3A_663] : memref<100000x128xf32, #tpu.memory_space<hbm>> -> memref<100000x128xf32, #tpu.memory_space<hbm>>
        tpu.enqueue_indirect_dma source(%dma_start3A_664 : memref<100000x128xf32, #tpu.memory_space<hbm>>) target(%dma_start3A_658 : memref<64x128xf32, #tpu.memory_space<vmem>>) offsets(%dma_start3A_661 : memref<64xi32, #tpu.memory_space<vmem>>) semaphore(%arg11 : memref<!tpu.dma_semaphore, #tpu.memory_space<semaphore_mem>>)
      } else {
      }
      %add3A_456 = arith.constant 5 : i32
      %add3A_457 = arith.addi %mul3A_278, %add3A_456 : i32
      %dma_wait3A_458 = arith.constant 5 : i32
      %dma_wait3A_459 = arith.constant 0 : i32
      %dma_wait3A_460 = arith.constant 0 : i32
      %dma_wait3A_461 = tpu.memref_slice %arg6[%dma_wait3A_458, %dma_wait3A_459, %dma_wait3A_460] : memref<10x64x128xf32, #tpu.memory_space<vmem>> -> memref<1x64x128xf32, #tpu.memory_space<vmem>>
      %dma_wait3A_462 = tpu.memref_squeeze %dma_wait3A_461 : memref<1x64x128xf32, #tpu.memory_space<vmem>> -> memref<64x128xf32, #tpu.memory_space<vmem>>
      %dma_wait3A_463 = arith.constant 0 : i32
      %dma_wait3A_464 = tpu.memref_slice %arg5[%add3A_457, %dma_wait3A_463] : memref<100x64xi32, #tpu.memory_space<vmem>> -> memref<1x64xi32, #tpu.memory_space<vmem>>
      %dma_wait3A_465 = tpu.memref_squeeze %dma_wait3A_464 : memref<1x64xi32, #tpu.memory_space<vmem>> -> memref<64xi32, #tpu.memory_space<vmem>>
      %dma_wait3A_466 = arith.constant 0 : i32
      %dma_wait3A_467 = arith.constant 0 : i32
      %dma_wait3A_468 = tpu.memref_slice %arg3[%dma_wait3A_466, %dma_wait3A_467] : memref<100000x128xf32, #tpu.memory_space<hbm>> -> memref<100000x128xf32, #tpu.memory_space<hbm>>
      tpu.wait_indirect_dma semaphore(%arg12 : memref<!tpu.dma_semaphore, #tpu.memory_space<semaphore_mem>>) src(%dma_wait3A_468 : memref<100000x128xf32, #tpu.memory_space<hbm>>) dst(%dma_wait3A_462 : memref<64x128xf32, #tpu.memory_space<vmem>>)
      %mul3A_469 = arith.constant 64 : i32
      %mul3A_470 = arith.muli %add3A_457, %mul3A_469 : i32
      %add3A_471 = arith.addi %mul3A_2, %mul3A_470 : i32
      %dma_start3A_472 = arith.constant 5 : i32
      %dma_start3A_473 = arith.constant 0 : i32
      %dma_start3A_474 = arith.constant 0 : i32
      %dma_start3A_475 = tpu.memref_slice %arg6[%dma_start3A_472, %dma_start3A_473, %dma_start3A_474] : memref<10x64x128xf32, #tpu.memory_space<vmem>> -> memref<1x64x128xf32, #tpu.memory_space<vmem>>
      %dma_start3A_476 = tpu.memref_squeeze %dma_start3A_475 : memref<1x64x128xf32, #tpu.memory_space<vmem>> -> memref<64x128xf32, #tpu.memory_space<vmem>>
      %dma_start3A_477 = arith.constant 0 : i32
      %dma_start3A_478 = tpu.memref_slice %arg4[%add3A_471, %dma_start3A_477] : memref<204800x128xf32, #tpu.memory_space<hbm>> -> memref<64x128xf32, #tpu.memory_space<hbm>>
      %dma_start3A_479 = arith.constant 0 : i32
      %dma_start3A_480 = tpu.memref_slice %arg4[%add3A_471, %dma_start3A_479] : memref<204800x128xf32, #tpu.memory_space<hbm>> -> memref<64x128xf32, #tpu.memory_space<hbm>>
      %dma_start3A_481 = arith.constant 0 : i32
      %dma_start3A_482 = arith.constant 0 : i32
      %dma_start3A_483 = tpu.memref_slice %arg6[%dma_start3A_472, %dma_start3A_481, %dma_start3A_482] : memref<10x64x128xf32, #tpu.memory_space<vmem>> -> memref<1x64x128xf32, #tpu.memory_space<vmem>>
      %dma_start3A_484 = tpu.memref_squeeze %dma_start3A_483 : memref<1x64x128xf32, #tpu.memory_space<vmem>> -> memref<64x128xf32, #tpu.memory_space<vmem>>
      tpu.enqueue_dma source(%dma_start3A_484 : memref<64x128xf32, #tpu.memory_space<vmem>>) target(%dma_start3A_480 : memref<64x128xf32, #tpu.memory_space<hbm>>) target_semaphore(%arg22 : memref<!tpu.dma_semaphore, #tpu.memory_space<semaphore_mem>>)
      %add3A_485 = arith.constant 10 : i32
      %add3A_486 = arith.addi %add3A_457, %add3A_485 : i32
      %lt3A_487 = arith.constant 100 : i32
      %lt3A_488 = arith.cmpi slt, %add3A_486, %lt3A_487 : i32
      %convert_element_type3A_489 = arith.extui %lt3A_488 : i1 to i32
      %cond3A_490 = arith.constant 0 : i32
      %cond3A_491 = arith.cmpi ne, %convert_element_type3A_489, %cond3A_490 : i32
      scf.if %cond3A_491 {
        %mul3A_636 = arith.constant 64 : i32
        %mul3A_637 = arith.muli %add3A_457, %mul3A_636 : i32
        %add3A_638 = arith.addi %mul3A_2, %mul3A_637 : i32
        %dma_wait3A_639 = arith.constant 5 : i32
        %dma_wait3A_640 = arith.constant 0 : i32
        %dma_wait3A_641 = arith.constant 0 : i32
        %dma_wait3A_642 = tpu.memref_slice %arg6[%dma_wait3A_639, %dma_wait3A_640, %dma_wait3A_641] : memref<10x64x128xf32, #tpu.memory_space<vmem>> -> memref<1x64x128xf32, #tpu.memory_space<vmem>>
        %dma_wait3A_643 = tpu.memref_squeeze %dma_wait3A_642 : memref<1x64x128xf32, #tpu.memory_space<vmem>> -> memref<64x128xf32, #tpu.memory_space<vmem>>
        %dma_wait3A_644 = arith.constant 0 : i32
        %dma_wait3A_645 = tpu.memref_slice %arg4[%add3A_638, %dma_wait3A_644] : memref<204800x128xf32, #tpu.memory_space<hbm>> -> memref<64x128xf32, #tpu.memory_space<hbm>>
        %dma_wait3A_646 = arith.constant 0 : i32
        %dma_wait3A_647 = tpu.memref_slice %arg4[%add3A_638, %dma_wait3A_646] : memref<204800x128xf32, #tpu.memory_space<hbm>> -> memref<64x128xf32, #tpu.memory_space<hbm>>
        %dma_wait3A_648 = arith.constant 0 : i32
        %dma_wait3A_649 = arith.constant 0 : i32
        %dma_wait3A_650 = tpu.memref_slice %arg6[%dma_wait3A_639, %dma_wait3A_648, %dma_wait3A_649] : memref<10x64x128xf32, #tpu.memory_space<vmem>> -> memref<1x64x128xf32, #tpu.memory_space<vmem>>
        %dma_wait3A_651 = tpu.memref_squeeze %dma_wait3A_650 : memref<1x64x128xf32, #tpu.memory_space<vmem>> -> memref<64x128xf32, #tpu.memory_space<vmem>>
        tpu.wait_dma2 semaphore(%arg22 : memref<!tpu.dma_semaphore, #tpu.memory_space<semaphore_mem>>) src(%dma_wait3A_651 : memref<64x128xf32, #tpu.memory_space<vmem>>) dst(%dma_wait3A_647 : memref<64x128xf32, #tpu.memory_space<hbm>>)
        %add3A_652 = arith.constant 10 : i32
        %add3A_653 = arith.addi %add3A_457, %add3A_652 : i32
        %dma_start3A_654 = arith.constant 5 : i32
        %dma_start3A_655 = arith.constant 0 : i32
        %dma_start3A_656 = arith.constant 0 : i32
        %dma_start3A_657 = tpu.memref_slice %arg6[%dma_start3A_654, %dma_start3A_655, %dma_start3A_656] : memref<10x64x128xf32, #tpu.memory_space<vmem>> -> memref<1x64x128xf32, #tpu.memory_space<vmem>>
        %dma_start3A_658 = tpu.memref_squeeze %dma_start3A_657 : memref<1x64x128xf32, #tpu.memory_space<vmem>> -> memref<64x128xf32, #tpu.memory_space<vmem>>
        %dma_start3A_659 = arith.constant 0 : i32
        %dma_start3A_660 = tpu.memref_slice %arg5[%add3A_653, %dma_start3A_659] : memref<100x64xi32, #tpu.memory_space<vmem>> -> memref<1x64xi32, #tpu.memory_space<vmem>>
        %dma_start3A_661 = tpu.memref_squeeze %dma_start3A_660 : memref<1x64xi32, #tpu.memory_space<vmem>> -> memref<64xi32, #tpu.memory_space<vmem>>
        %dma_start3A_662 = arith.constant 0 : i32
        %dma_start3A_663 = arith.constant 0 : i32
        %dma_start3A_664 = tpu.memref_slice %arg3[%dma_start3A_662, %dma_start3A_663] : memref<100000x128xf32, #tpu.memory_space<hbm>> -> memref<100000x128xf32, #tpu.memory_space<hbm>>
        tpu.enqueue_indirect_dma source(%dma_start3A_664 : memref<100000x128xf32, #tpu.memory_space<hbm>>) target(%dma_start3A_658 : memref<64x128xf32, #tpu.memory_space<vmem>>) offsets(%dma_start3A_661 : memref<64xi32, #tpu.memory_space<vmem>>) semaphore(%arg12 : memref<!tpu.dma_semaphore, #tpu.memory_space<semaphore_mem>>)
      } else {
      }
      %add3A_492 = arith.constant 6 : i32
      %add3A_493 = arith.addi %mul3A_278, %add3A_492 : i32
      %dma_wait3A_494 = arith.constant 6 : i32
      %dma_wait3A_495 = arith.constant 0 : i32
      %dma_wait3A_496 = arith.constant 0 : i32
      %dma_wait3A_497 = tpu.memref_slice %arg6[%dma_wait3A_494, %dma_wait3A_495, %dma_wait3A_496] : memref<10x64x128xf32, #tpu.memory_space<vmem>> -> memref<1x64x128xf32, #tpu.memory_space<vmem>>
      %dma_wait3A_498 = tpu.memref_squeeze %dma_wait3A_497 : memref<1x64x128xf32, #tpu.memory_space<vmem>> -> memref<64x128xf32, #tpu.memory_space<vmem>>
      %dma_wait3A_499 = arith.constant 0 : i32
      %dma_wait3A_500 = tpu.memref_slice %arg5[%add3A_493, %dma_wait3A_499] : memref<100x64xi32, #tpu.memory_space<vmem>> -> memref<1x64xi32, #tpu.memory_space<vmem>>
      %dma_wait3A_501 = tpu.memref_squeeze %dma_wait3A_500 : memref<1x64xi32, #tpu.memory_space<vmem>> -> memref<64xi32, #tpu.memory_space<vmem>>
      %dma_wait3A_502 = arith.constant 0 : i32
      %dma_wait3A_503 = arith.constant 0 : i32
      %dma_wait3A_504 = tpu.memref_slice %arg3[%dma_wait3A_502, %dma_wait3A_503] : memref<100000x128xf32, #tpu.memory_space<hbm>> -> memref<100000x128xf32, #tpu.memory_space<hbm>>
      tpu.wait_indirect_dma semaphore(%arg13 : memref<!tpu.dma_semaphore, #tpu.memory_space<semaphore_mem>>) src(%dma_wait3A_504 : memref<100000x128xf32, #tpu.memory_space<hbm>>) dst(%dma_wait3A_498 : memref<64x128xf32, #tpu.memory_space<vmem>>)
      %mul3A_505 = arith.constant 64 : i32
      %mul3A_506 = arith.muli %add3A_493, %mul3A_505 : i32
      %add3A_507 = arith.addi %mul3A_2, %mul3A_506 : i32
      %dma_start3A_508 = arith.constant 6 : i32
      %dma_start3A_509 = arith.constant 0 : i32
      %dma_start3A_510 = arith.constant 0 : i32
      %dma_start3A_511 = tpu.memref_slice %arg6[%dma_start3A_508, %dma_start3A_509, %dma_start3A_510] : memref<10x64x128xf32, #tpu.memory_space<vmem>> -> memref<1x64x128xf32, #tpu.memory_space<vmem>>
      %dma_start3A_512 = tpu.memref_squeeze %dma_start3A_511 : memref<1x64x128xf32, #tpu.memory_space<vmem>> -> memref<64x128xf32, #tpu.memory_space<vmem>>
      %dma_start3A_513 = arith.constant 0 : i32
      %dma_start3A_514 = tpu.memref_slice %arg4[%add3A_507, %dma_start3A_513] : memref<204800x128xf32, #tpu.memory_space<hbm>> -> memref<64x128xf32, #tpu.memory_space<hbm>>
      %dma_start3A_515 = arith.constant 0 : i32
      %dma_start3A_516 = tpu.memref_slice %arg4[%add3A_507, %dma_start3A_515] : memref<204800x128xf32, #tpu.memory_space<hbm>> -> memref<64x128xf32, #tpu.memory_space<hbm>>
      %dma_start3A_517 = arith.constant 0 : i32
      %dma_start3A_518 = arith.constant 0 : i32
      %dma_start3A_519 = tpu.memref_slice %arg6[%dma_start3A_508, %dma_start3A_517, %dma_start3A_518] : memref<10x64x128xf32, #tpu.memory_space<vmem>> -> memref<1x64x128xf32, #tpu.memory_space<vmem>>
      %dma_start3A_520 = tpu.memref_squeeze %dma_start3A_519 : memref<1x64x128xf32, #tpu.memory_space<vmem>> -> memref<64x128xf32, #tpu.memory_space<vmem>>
      tpu.enqueue_dma source(%dma_start3A_520 : memref<64x128xf32, #tpu.memory_space<vmem>>) target(%dma_start3A_516 : memref<64x128xf32, #tpu.memory_space<hbm>>) target_semaphore(%arg23 : memref<!tpu.dma_semaphore, #tpu.memory_space<semaphore_mem>>)
      %add3A_521 = arith.constant 10 : i32
      %add3A_522 = arith.addi %add3A_493, %add3A_521 : i32
      %lt3A_523 = arith.constant 100 : i32
      %lt3A_524 = arith.cmpi slt, %add3A_522, %lt3A_523 : i32
      %convert_element_type3A_525 = arith.extui %lt3A_524 : i1 to i32
      %cond3A_526 = arith.constant 0 : i32
      %cond3A_527 = arith.cmpi ne, %convert_element_type3A_525, %cond3A_526 : i32
      scf.if %cond3A_527 {
        %mul3A_636 = arith.constant 64 : i32
        %mul3A_637 = arith.muli %add3A_493, %mul3A_636 : i32
        %add3A_638 = arith.addi %mul3A_2, %mul3A_637 : i32
        %dma_wait3A_639 = arith.constant 6 : i32
        %dma_wait3A_640 = arith.constant 0 : i32
        %dma_wait3A_641 = arith.constant 0 : i32
        %dma_wait3A_642 = tpu.memref_slice %arg6[%dma_wait3A_639, %dma_wait3A_640, %dma_wait3A_641] : memref<10x64x128xf32, #tpu.memory_space<vmem>> -> memref<1x64x128xf32, #tpu.memory_space<vmem>>
        %dma_wait3A_643 = tpu.memref_squeeze %dma_wait3A_642 : memref<1x64x128xf32, #tpu.memory_space<vmem>> -> memref<64x128xf32, #tpu.memory_space<vmem>>
        %dma_wait3A_644 = arith.constant 0 : i32
        %dma_wait3A_645 = tpu.memref_slice %arg4[%add3A_638, %dma_wait3A_644] : memref<204800x128xf32, #tpu.memory_space<hbm>> -> memref<64x128xf32, #tpu.memory_space<hbm>>
        %dma_wait3A_646 = arith.constant 0 : i32
        %dma_wait3A_647 = tpu.memref_slice %arg4[%add3A_638, %dma_wait3A_646] : memref<204800x128xf32, #tpu.memory_space<hbm>> -> memref<64x128xf32, #tpu.memory_space<hbm>>
        %dma_wait3A_648 = arith.constant 0 : i32
        %dma_wait3A_649 = arith.constant 0 : i32
        %dma_wait3A_650 = tpu.memref_slice %arg6[%dma_wait3A_639, %dma_wait3A_648, %dma_wait3A_649] : memref<10x64x128xf32, #tpu.memory_space<vmem>> -> memref<1x64x128xf32, #tpu.memory_space<vmem>>
        %dma_wait3A_651 = tpu.memref_squeeze %dma_wait3A_650 : memref<1x64x128xf32, #tpu.memory_space<vmem>> -> memref<64x128xf32, #tpu.memory_space<vmem>>
        tpu.wait_dma2 semaphore(%arg23 : memref<!tpu.dma_semaphore, #tpu.memory_space<semaphore_mem>>) src(%dma_wait3A_651 : memref<64x128xf32, #tpu.memory_space<vmem>>) dst(%dma_wait3A_647 : memref<64x128xf32, #tpu.memory_space<hbm>>)
        %add3A_652 = arith.constant 10 : i32
        %add3A_653 = arith.addi %add3A_493, %add3A_652 : i32
        %dma_start3A_654 = arith.constant 6 : i32
        %dma_start3A_655 = arith.constant 0 : i32
        %dma_start3A_656 = arith.constant 0 : i32
        %dma_start3A_657 = tpu.memref_slice %arg6[%dma_start3A_654, %dma_start3A_655, %dma_start3A_656] : memref<10x64x128xf32, #tpu.memory_space<vmem>> -> memref<1x64x128xf32, #tpu.memory_space<vmem>>
        %dma_start3A_658 = tpu.memref_squeeze %dma_start3A_657 : memref<1x64x128xf32, #tpu.memory_space<vmem>> -> memref<64x128xf32, #tpu.memory_space<vmem>>
        %dma_start3A_659 = arith.constant 0 : i32
        %dma_start3A_660 = tpu.memref_slice %arg5[%add3A_653, %dma_start3A_659] : memref<100x64xi32, #tpu.memory_space<vmem>> -> memref<1x64xi32, #tpu.memory_space<vmem>>
        %dma_start3A_661 = tpu.memref_squeeze %dma_start3A_660 : memref<1x64xi32, #tpu.memory_space<vmem>> -> memref<64xi32, #tpu.memory_space<vmem>>
        %dma_start3A_662 = arith.constant 0 : i32
        %dma_start3A_663 = arith.constant 0 : i32
        %dma_start3A_664 = tpu.memref_slice %arg3[%dma_start3A_662, %dma_start3A_663] : memref<100000x128xf32, #tpu.memory_space<hbm>> -> memref<100000x128xf32, #tpu.memory_space<hbm>>
        tpu.enqueue_indirect_dma source(%dma_start3A_664 : memref<100000x128xf32, #tpu.memory_space<hbm>>) target(%dma_start3A_658 : memref<64x128xf32, #tpu.memory_space<vmem>>) offsets(%dma_start3A_661 : memref<64xi32, #tpu.memory_space<vmem>>) semaphore(%arg13 : memref<!tpu.dma_semaphore, #tpu.memory_space<semaphore_mem>>)
      } else {
      }
      %add3A_528 = arith.constant 7 : i32
      %add3A_529 = arith.addi %mul3A_278, %add3A_528 : i32
      %dma_wait3A_530 = arith.constant 7 : i32
      %dma_wait3A_531 = arith.constant 0 : i32
      %dma_wait3A_532 = arith.constant 0 : i32
      %dma_wait3A_533 = tpu.memref_slice %arg6[%dma_wait3A_530, %dma_wait3A_531, %dma_wait3A_532] : memref<10x64x128xf32, #tpu.memory_space<vmem>> -> memref<1x64x128xf32, #tpu.memory_space<vmem>>
      %dma_wait3A_534 = tpu.memref_squeeze %dma_wait3A_533 : memref<1x64x128xf32, #tpu.memory_space<vmem>> -> memref<64x128xf32, #tpu.memory_space<vmem>>
      %dma_wait3A_535 = arith.constant 0 : i32
      %dma_wait3A_536 = tpu.memref_slice %arg5[%add3A_529, %dma_wait3A_535] : memref<100x64xi32, #tpu.memory_space<vmem>> -> memref<1x64xi32, #tpu.memory_space<vmem>>
      %dma_wait3A_537 = tpu.memref_squeeze %dma_wait3A_536 : memref<1x64xi32, #tpu.memory_space<vmem>> -> memref<64xi32, #tpu.memory_space<vmem>>
      %dma_wait3A_538 = arith.constant 0 : i32
      %dma_wait3A_539 = arith.constant 0 : i32
      %dma_wait3A_540 = tpu.memref_slice %arg3[%dma_wait3A_538, %dma_wait3A_539] : memref<100000x128xf32, #tpu.memory_space<hbm>> -> memref<100000x128xf32, #tpu.memory_space<hbm>>
      tpu.wait_indirect_dma semaphore(%arg14 : memref<!tpu.dma_semaphore, #tpu.memory_space<semaphore_mem>>) src(%dma_wait3A_540 : memref<100000x128xf32, #tpu.memory_space<hbm>>) dst(%dma_wait3A_534 : memref<64x128xf32, #tpu.memory_space<vmem>>)
      %mul3A_541 = arith.constant 64 : i32
      %mul3A_542 = arith.muli %add3A_529, %mul3A_541 : i32
      %add3A_543 = arith.addi %mul3A_2, %mul3A_542 : i32
      %dma_start3A_544 = arith.constant 7 : i32
      %dma_start3A_545 = arith.constant 0 : i32
      %dma_start3A_546 = arith.constant 0 : i32
      %dma_start3A_547 = tpu.memref_slice %arg6[%dma_start3A_544, %dma_start3A_545, %dma_start3A_546] : memref<10x64x128xf32, #tpu.memory_space<vmem>> -> memref<1x64x128xf32, #tpu.memory_space<vmem>>
      %dma_start3A_548 = tpu.memref_squeeze %dma_start3A_547 : memref<1x64x128xf32, #tpu.memory_space<vmem>> -> memref<64x128xf32, #tpu.memory_space<vmem>>
      %dma_start3A_549 = arith.constant 0 : i32
      %dma_start3A_550 = tpu.memref_slice %arg4[%add3A_543, %dma_start3A_549] : memref<204800x128xf32, #tpu.memory_space<hbm>> -> memref<64x128xf32, #tpu.memory_space<hbm>>
      %dma_start3A_551 = arith.constant 0 : i32
      %dma_start3A_552 = tpu.memref_slice %arg4[%add3A_543, %dma_start3A_551] : memref<204800x128xf32, #tpu.memory_space<hbm>> -> memref<64x128xf32, #tpu.memory_space<hbm>>
      %dma_start3A_553 = arith.constant 0 : i32
      %dma_start3A_554 = arith.constant 0 : i32
      %dma_start3A_555 = tpu.memref_slice %arg6[%dma_start3A_544, %dma_start3A_553, %dma_start3A_554] : memref<10x64x128xf32, #tpu.memory_space<vmem>> -> memref<1x64x128xf32, #tpu.memory_space<vmem>>
      %dma_start3A_556 = tpu.memref_squeeze %dma_start3A_555 : memref<1x64x128xf32, #tpu.memory_space<vmem>> -> memref<64x128xf32, #tpu.memory_space<vmem>>
      tpu.enqueue_dma source(%dma_start3A_556 : memref<64x128xf32, #tpu.memory_space<vmem>>) target(%dma_start3A_552 : memref<64x128xf32, #tpu.memory_space<hbm>>) target_semaphore(%arg24 : memref<!tpu.dma_semaphore, #tpu.memory_space<semaphore_mem>>)
      %add3A_557 = arith.constant 10 : i32
      %add3A_558 = arith.addi %add3A_529, %add3A_557 : i32
      %lt3A_559 = arith.constant 100 : i32
      %lt3A_560 = arith.cmpi slt, %add3A_558, %lt3A_559 : i32
      %convert_element_type3A_561 = arith.extui %lt3A_560 : i1 to i32
      %cond3A_562 = arith.constant 0 : i32
      %cond3A_563 = arith.cmpi ne, %convert_element_type3A_561, %cond3A_562 : i32
      scf.if %cond3A_563 {
        %mul3A_636 = arith.constant 64 : i32
        %mul3A_637 = arith.muli %add3A_529, %mul3A_636 : i32
        %add3A_638 = arith.addi %mul3A_2, %mul3A_637 : i32
        %dma_wait3A_639 = arith.constant 7 : i32
        %dma_wait3A_640 = arith.constant 0 : i32
        %dma_wait3A_641 = arith.constant 0 : i32
        %dma_wait3A_642 = tpu.memref_slice %arg6[%dma_wait3A_639, %dma_wait3A_640, %dma_wait3A_641] : memref<10x64x128xf32, #tpu.memory_space<vmem>> -> memref<1x64x128xf32, #tpu.memory_space<vmem>>
        %dma_wait3A_643 = tpu.memref_squeeze %dma_wait3A_642 : memref<1x64x128xf32, #tpu.memory_space<vmem>> -> memref<64x128xf32, #tpu.memory_space<vmem>>
        %dma_wait3A_644 = arith.constant 0 : i32
        %dma_wait3A_645 = tpu.memref_slice %arg4[%add3A_638, %dma_wait3A_644] : memref<204800x128xf32, #tpu.memory_space<hbm>> -> memref<64x128xf32, #tpu.memory_space<hbm>>
        %dma_wait3A_646 = arith.constant 0 : i32
        %dma_wait3A_647 = tpu.memref_slice %arg4[%add3A_638, %dma_wait3A_646] : memref<204800x128xf32, #tpu.memory_space<hbm>> -> memref<64x128xf32, #tpu.memory_space<hbm>>
        %dma_wait3A_648 = arith.constant 0 : i32
        %dma_wait3A_649 = arith.constant 0 : i32
        %dma_wait3A_650 = tpu.memref_slice %arg6[%dma_wait3A_639, %dma_wait3A_648, %dma_wait3A_649] : memref<10x64x128xf32, #tpu.memory_space<vmem>> -> memref<1x64x128xf32, #tpu.memory_space<vmem>>
        %dma_wait3A_651 = tpu.memref_squeeze %dma_wait3A_650 : memref<1x64x128xf32, #tpu.memory_space<vmem>> -> memref<64x128xf32, #tpu.memory_space<vmem>>
        tpu.wait_dma2 semaphore(%arg24 : memref<!tpu.dma_semaphore, #tpu.memory_space<semaphore_mem>>) src(%dma_wait3A_651 : memref<64x128xf32, #tpu.memory_space<vmem>>) dst(%dma_wait3A_647 : memref<64x128xf32, #tpu.memory_space<hbm>>)
        %add3A_652 = arith.constant 10 : i32
        %add3A_653 = arith.addi %add3A_529, %add3A_652 : i32
        %dma_start3A_654 = arith.constant 7 : i32
        %dma_start3A_655 = arith.constant 0 : i32
        %dma_start3A_656 = arith.constant 0 : i32
        %dma_start3A_657 = tpu.memref_slice %arg6[%dma_start3A_654, %dma_start3A_655, %dma_start3A_656] : memref<10x64x128xf32, #tpu.memory_space<vmem>> -> memref<1x64x128xf32, #tpu.memory_space<vmem>>
        %dma_start3A_658 = tpu.memref_squeeze %dma_start3A_657 : memref<1x64x128xf32, #tpu.memory_space<vmem>> -> memref<64x128xf32, #tpu.memory_space<vmem>>
        %dma_start3A_659 = arith.constant 0 : i32
        %dma_start3A_660 = tpu.memref_slice %arg5[%add3A_653, %dma_start3A_659] : memref<100x64xi32, #tpu.memory_space<vmem>> -> memref<1x64xi32, #tpu.memory_space<vmem>>
        %dma_start3A_661 = tpu.memref_squeeze %dma_start3A_660 : memref<1x64xi32, #tpu.memory_space<vmem>> -> memref<64xi32, #tpu.memory_space<vmem>>
        %dma_start3A_662 = arith.constant 0 : i32
        %dma_start3A_663 = arith.constant 0 : i32
        %dma_start3A_664 = tpu.memref_slice %arg3[%dma_start3A_662, %dma_start3A_663] : memref<100000x128xf32, #tpu.memory_space<hbm>> -> memref<100000x128xf32, #tpu.memory_space<hbm>>
        tpu.enqueue_indirect_dma source(%dma_start3A_664 : memref<100000x128xf32, #tpu.memory_space<hbm>>) target(%dma_start3A_658 : memref<64x128xf32, #tpu.memory_space<vmem>>) offsets(%dma_start3A_661 : memref<64xi32, #tpu.memory_space<vmem>>) semaphore(%arg14 : memref<!tpu.dma_semaphore, #tpu.memory_space<semaphore_mem>>)
      } else {
      }
      %add3A_564 = arith.constant 8 : i32
      %add3A_565 = arith.addi %mul3A_278, %add3A_564 : i32
      %dma_wait3A_566 = arith.constant 8 : i32
      %dma_wait3A_567 = arith.constant 0 : i32
      %dma_wait3A_568 = arith.constant 0 : i32
      %dma_wait3A_569 = tpu.memref_slice %arg6[%dma_wait3A_566, %dma_wait3A_567, %dma_wait3A_568] : memref<10x64x128xf32, #tpu.memory_space<vmem>> -> memref<1x64x128xf32, #tpu.memory_space<vmem>>
      %dma_wait3A_570 = tpu.memref_squeeze %dma_wait3A_569 : memref<1x64x128xf32, #tpu.memory_space<vmem>> -> memref<64x128xf32, #tpu.memory_space<vmem>>
      %dma_wait3A_571 = arith.constant 0 : i32
      %dma_wait3A_572 = tpu.memref_slice %arg5[%add3A_565, %dma_wait3A_571] : memref<100x64xi32, #tpu.memory_space<vmem>> -> memref<1x64xi32, #tpu.memory_space<vmem>>
      %dma_wait3A_573 = tpu.memref_squeeze %dma_wait3A_572 : memref<1x64xi32, #tpu.memory_space<vmem>> -> memref<64xi32, #tpu.memory_space<vmem>>
      %dma_wait3A_574 = arith.constant 0 : i32
      %dma_wait3A_575 = arith.constant 0 : i32
      %dma_wait3A_576 = tpu.memref_slice %arg3[%dma_wait3A_574, %dma_wait3A_575] : memref<100000x128xf32, #tpu.memory_space<hbm>> -> memref<100000x128xf32, #tpu.memory_space<hbm>>
      tpu.wait_indirect_dma semaphore(%arg15 : memref<!tpu.dma_semaphore, #tpu.memory_space<semaphore_mem>>) src(%dma_wait3A_576 : memref<100000x128xf32, #tpu.memory_space<hbm>>) dst(%dma_wait3A_570 : memref<64x128xf32, #tpu.memory_space<vmem>>)
      %mul3A_577 = arith.constant 64 : i32
      %mul3A_578 = arith.muli %add3A_565, %mul3A_577 : i32
      %add3A_579 = arith.addi %mul3A_2, %mul3A_578 : i32
      %dma_start3A_580 = arith.constant 8 : i32
      %dma_start3A_581 = arith.constant 0 : i32
      %dma_start3A_582 = arith.constant 0 : i32
      %dma_start3A_583 = tpu.memref_slice %arg6[%dma_start3A_580, %dma_start3A_581, %dma_start3A_582] : memref<10x64x128xf32, #tpu.memory_space<vmem>> -> memref<1x64x128xf32, #tpu.memory_space<vmem>>
      %dma_start3A_584 = tpu.memref_squeeze %dma_start3A_583 : memref<1x64x128xf32, #tpu.memory_space<vmem>> -> memref<64x128xf32, #tpu.memory_space<vmem>>
      %dma_start3A_585 = arith.constant 0 : i32
      %dma_start3A_586 = tpu.memref_slice %arg4[%add3A_579, %dma_start3A_585] : memref<204800x128xf32, #tpu.memory_space<hbm>> -> memref<64x128xf32, #tpu.memory_space<hbm>>
      %dma_start3A_587 = arith.constant 0 : i32
      %dma_start3A_588 = tpu.memref_slice %arg4[%add3A_579, %dma_start3A_587] : memref<204800x128xf32, #tpu.memory_space<hbm>> -> memref<64x128xf32, #tpu.memory_space<hbm>>
      %dma_start3A_589 = arith.constant 0 : i32
      %dma_start3A_590 = arith.constant 0 : i32
      %dma_start3A_591 = tpu.memref_slice %arg6[%dma_start3A_580, %dma_start3A_589, %dma_start3A_590] : memref<10x64x128xf32, #tpu.memory_space<vmem>> -> memref<1x64x128xf32, #tpu.memory_space<vmem>>
      %dma_start3A_592 = tpu.memref_squeeze %dma_start3A_591 : memref<1x64x128xf32, #tpu.memory_space<vmem>> -> memref<64x128xf32, #tpu.memory_space<vmem>>
      tpu.enqueue_dma source(%dma_start3A_592 : memref<64x128xf32, #tpu.memory_space<vmem>>) target(%dma_start3A_588 : memref<64x128xf32, #tpu.memory_space<hbm>>) target_semaphore(%arg25 : memref<!tpu.dma_semaphore, #tpu.memory_space<semaphore_mem>>)
      %add3A_593 = arith.constant 10 : i32
      %add3A_594 = arith.addi %add3A_565, %add3A_593 : i32
      %lt3A_595 = arith.constant 100 : i32
      %lt3A_596 = arith.cmpi slt, %add3A_594, %lt3A_595 : i32
      %convert_element_type3A_597 = arith.extui %lt3A_596 : i1 to i32
      %cond3A_598 = arith.constant 0 : i32
      %cond3A_599 = arith.cmpi ne, %convert_element_type3A_597, %cond3A_598 : i32
      scf.if %cond3A_599 {
        %mul3A_636 = arith.constant 64 : i32
        %mul3A_637 = arith.muli %add3A_565, %mul3A_636 : i32
        %add3A_638 = arith.addi %mul3A_2, %mul3A_637 : i32
        %dma_wait3A_639 = arith.constant 8 : i32
        %dma_wait3A_640 = arith.constant 0 : i32
        %dma_wait3A_641 = arith.constant 0 : i32
        %dma_wait3A_642 = tpu.memref_slice %arg6[%dma_wait3A_639, %dma_wait3A_640, %dma_wait3A_641] : memref<10x64x128xf32, #tpu.memory_space<vmem>> -> memref<1x64x128xf32, #tpu.memory_space<vmem>>
        %dma_wait3A_643 = tpu.memref_squeeze %dma_wait3A_642 : memref<1x64x128xf32, #tpu.memory_space<vmem>> -> memref<64x128xf32, #tpu.memory_space<vmem>>
        %dma_wait3A_644 = arith.constant 0 : i32
        %dma_wait3A_645 = tpu.memref_slice %arg4[%add3A_638, %dma_wait3A_644] : memref<204800x128xf32, #tpu.memory_space<hbm>> -> memref<64x128xf32, #tpu.memory_space<hbm>>
        %dma_wait3A_646 = arith.constant 0 : i32
        %dma_wait3A_647 = tpu.memref_slice %arg4[%add3A_638, %dma_wait3A_646] : memref<204800x128xf32, #tpu.memory_space<hbm>> -> memref<64x128xf32, #tpu.memory_space<hbm>>
        %dma_wait3A_648 = arith.constant 0 : i32
        %dma_wait3A_649 = arith.constant 0 : i32
        %dma_wait3A_650 = tpu.memref_slice %arg6[%dma_wait3A_639, %dma_wait3A_648, %dma_wait3A_649] : memref<10x64x128xf32, #tpu.memory_space<vmem>> -> memref<1x64x128xf32, #tpu.memory_space<vmem>>
        %dma_wait3A_651 = tpu.memref_squeeze %dma_wait3A_650 : memref<1x64x128xf32, #tpu.memory_space<vmem>> -> memref<64x128xf32, #tpu.memory_space<vmem>>
        tpu.wait_dma2 semaphore(%arg25 : memref<!tpu.dma_semaphore, #tpu.memory_space<semaphore_mem>>) src(%dma_wait3A_651 : memref<64x128xf32, #tpu.memory_space<vmem>>) dst(%dma_wait3A_647 : memref<64x128xf32, #tpu.memory_space<hbm>>)
        %add3A_652 = arith.constant 10 : i32
        %add3A_653 = arith.addi %add3A_565, %add3A_652 : i32
        %dma_start3A_654 = arith.constant 8 : i32
        %dma_start3A_655 = arith.constant 0 : i32
        %dma_start3A_656 = arith.constant 0 : i32
        %dma_start3A_657 = tpu.memref_slice %arg6[%dma_start3A_654, %dma_start3A_655, %dma_start3A_656] : memref<10x64x128xf32, #tpu.memory_space<vmem>> -> memref<1x64x128xf32, #tpu.memory_space<vmem>>
        %dma_start3A_658 = tpu.memref_squeeze %dma_start3A_657 : memref<1x64x128xf32, #tpu.memory_space<vmem>> -> memref<64x128xf32, #tpu.memory_space<vmem>>
        %dma_start3A_659 = arith.constant 0 : i32
        %dma_start3A_660 = tpu.memref_slice %arg5[%add3A_653, %dma_start3A_659] : memref<100x64xi32, #tpu.memory_space<vmem>> -> memref<1x64xi32, #tpu.memory_space<vmem>>
        %dma_start3A_661 = tpu.memref_squeeze %dma_start3A_660 : memref<1x64xi32, #tpu.memory_space<vmem>> -> memref<64xi32, #tpu.memory_space<vmem>>
        %dma_start3A_662 = arith.constant 0 : i32
        %dma_start3A_663 = arith.constant 0 : i32
        %dma_start3A_664 = tpu.memref_slice %arg3[%dma_start3A_662, %dma_start3A_663] : memref<100000x128xf32, #tpu.memory_space<hbm>> -> memref<100000x128xf32, #tpu.memory_space<hbm>>
        tpu.enqueue_indirect_dma source(%dma_start3A_664 : memref<100000x128xf32, #tpu.memory_space<hbm>>) target(%dma_start3A_658 : memref<64x128xf32, #tpu.memory_space<vmem>>) offsets(%dma_start3A_661 : memref<64xi32, #tpu.memory_space<vmem>>) semaphore(%arg15 : memref<!tpu.dma_semaphore, #tpu.memory_space<semaphore_mem>>)
      } else {
      }
      %add3A_600 = arith.constant 9 : i32
      %add3A_601 = arith.addi %mul3A_278, %add3A_600 : i32
      %dma_wait3A_602 = arith.constant 9 : i32
      %dma_wait3A_603 = arith.constant 0 : i32
      %dma_wait3A_604 = arith.constant 0 : i32
      %dma_wait3A_605 = tpu.memref_slice %arg6[%dma_wait3A_602, %dma_wait3A_603, %dma_wait3A_604] : memref<10x64x128xf32, #tpu.memory_space<vmem>> -> memref<1x64x128xf32, #tpu.memory_space<vmem>>
      %dma_wait3A_606 = tpu.memref_squeeze %dma_wait3A_605 : memref<1x64x128xf32, #tpu.memory_space<vmem>> -> memref<64x128xf32, #tpu.memory_space<vmem>>
      %dma_wait3A_607 = arith.constant 0 : i32
      %dma_wait3A_608 = tpu.memref_slice %arg5[%add3A_601, %dma_wait3A_607] : memref<100x64xi32, #tpu.memory_space<vmem>> -> memref<1x64xi32, #tpu.memory_space<vmem>>
      %dma_wait3A_609 = tpu.memref_squeeze %dma_wait3A_608 : memref<1x64xi32, #tpu.memory_space<vmem>> -> memref<64xi32, #tpu.memory_space<vmem>>
      %dma_wait3A_610 = arith.constant 0 : i32
      %dma_wait3A_611 = arith.constant 0 : i32
      %dma_wait3A_612 = tpu.memref_slice %arg3[%dma_wait3A_610, %dma_wait3A_611] : memref<100000x128xf32, #tpu.memory_space<hbm>> -> memref<100000x128xf32, #tpu.memory_space<hbm>>
      tpu.wait_indirect_dma semaphore(%arg16 : memref<!tpu.dma_semaphore, #tpu.memory_space<semaphore_mem>>) src(%dma_wait3A_612 : memref<100000x128xf32, #tpu.memory_space<hbm>>) dst(%dma_wait3A_606 : memref<64x128xf32, #tpu.memory_space<vmem>>)
      %mul3A_613 = arith.constant 64 : i32
      %mul3A_614 = arith.muli %add3A_601, %mul3A_613 : i32
      %add3A_615 = arith.addi %mul3A_2, %mul3A_614 : i32
      %dma_start3A_616 = arith.constant 9 : i32
      %dma_start3A_617 = arith.constant 0 : i32
      %dma_start3A_618 = arith.constant 0 : i32
      %dma_start3A_619 = tpu.memref_slice %arg6[%dma_start3A_616, %dma_start3A_617, %dma_start3A_618] : memref<10x64x128xf32, #tpu.memory_space<vmem>> -> memref<1x64x128xf32, #tpu.memory_space<vmem>>
      %dma_start3A_620 = tpu.memref_squeeze %dma_start3A_619 : memref<1x64x128xf32, #tpu.memory_space<vmem>> -> memref<64x128xf32, #tpu.memory_space<vmem>>
      %dma_start3A_621 = arith.constant 0 : i32
      %dma_start3A_622 = tpu.memref_slice %arg4[%add3A_615, %dma_start3A_621] : memref<204800x128xf32, #tpu.memory_space<hbm>> -> memref<64x128xf32, #tpu.memory_space<hbm>>
      %dma_start3A_623 = arith.constant 0 : i32
      %dma_start3A_624 = tpu.memref_slice %arg4[%add3A_615, %dma_start3A_623] : memref<204800x128xf32, #tpu.memory_space<hbm>> -> memref<64x128xf32, #tpu.memory_space<hbm>>
      %dma_start3A_625 = arith.constant 0 : i32
      %dma_start3A_626 = arith.constant 0 : i32
      %dma_start3A_627 = tpu.memref_slice %arg6[%dma_start3A_616, %dma_start3A_625, %dma_start3A_626] : memref<10x64x128xf32, #tpu.memory_space<vmem>> -> memref<1x64x128xf32, #tpu.memory_space<vmem>>
      %dma_start3A_628 = tpu.memref_squeeze %dma_start3A_627 : memref<1x64x128xf32, #tpu.memory_space<vmem>> -> memref<64x128xf32, #tpu.memory_space<vmem>>
      tpu.enqueue_dma source(%dma_start3A_628 : memref<64x128xf32, #tpu.memory_space<vmem>>) target(%dma_start3A_624 : memref<64x128xf32, #tpu.memory_space<hbm>>) target_semaphore(%arg26 : memref<!tpu.dma_semaphore, #tpu.memory_space<semaphore_mem>>)
      %add3A_629 = arith.constant 10 : i32
      %add3A_630 = arith.addi %add3A_601, %add3A_629 : i32
      %lt3A_631 = arith.constant 100 : i32
      %lt3A_632 = arith.cmpi slt, %add3A_630, %lt3A_631 : i32
      %convert_element_type3A_633 = arith.extui %lt3A_632 : i1 to i32
      %cond3A_634 = arith.constant 0 : i32
      %cond3A_635 = arith.cmpi ne, %convert_element_type3A_633, %cond3A_634 : i32
      scf.if %cond3A_635 {
        %mul3A_636 = arith.constant 64 : i32
        %mul3A_637 = arith.muli %add3A_601, %mul3A_636 : i32
        %add3A_638 = arith.addi %mul3A_2, %mul3A_637 : i32
        %dma_wait3A_639 = arith.constant 9 : i32
        %dma_wait3A_640 = arith.constant 0 : i32
        %dma_wait3A_641 = arith.constant 0 : i32
        %dma_wait3A_642 = tpu.memref_slice %arg6[%dma_wait3A_639, %dma_wait3A_640, %dma_wait3A_641] : memref<10x64x128xf32, #tpu.memory_space<vmem>> -> memref<1x64x128xf32, #tpu.memory_space<vmem>>
        %dma_wait3A_643 = tpu.memref_squeeze %dma_wait3A_642 : memref<1x64x128xf32, #tpu.memory_space<vmem>> -> memref<64x128xf32, #tpu.memory_space<vmem>>
        %dma_wait3A_644 = arith.constant 0 : i32
        %dma_wait3A_645 = tpu.memref_slice %arg4[%add3A_638, %dma_wait3A_644] : memref<204800x128xf32, #tpu.memory_space<hbm>> -> memref<64x128xf32, #tpu.memory_space<hbm>>
        %dma_wait3A_646 = arith.constant 0 : i32
        %dma_wait3A_647 = tpu.memref_slice %arg4[%add3A_638, %dma_wait3A_646] : memref<204800x128xf32, #tpu.memory_space<hbm>> -> memref<64x128xf32, #tpu.memory_space<hbm>>
        %dma_wait3A_648 = arith.constant 0 : i32
        %dma_wait3A_649 = arith.constant 0 : i32
        %dma_wait3A_650 = tpu.memref_slice %arg6[%dma_wait3A_639, %dma_wait3A_648, %dma_wait3A_649] : memref<10x64x128xf32, #tpu.memory_space<vmem>> -> memref<1x64x128xf32, #tpu.memory_space<vmem>>
        %dma_wait3A_651 = tpu.memref_squeeze %dma_wait3A_650 : memref<1x64x128xf32, #tpu.memory_space<vmem>> -> memref<64x128xf32, #tpu.memory_space<vmem>>
        tpu.wait_dma2 semaphore(%arg26 : memref<!tpu.dma_semaphore, #tpu.memory_space<semaphore_mem>>) src(%dma_wait3A_651 : memref<64x128xf32, #tpu.memory_space<vmem>>) dst(%dma_wait3A_647 : memref<64x128xf32, #tpu.memory_space<hbm>>)
        %add3A_652 = arith.constant 10 : i32
        %add3A_653 = arith.addi %add3A_601, %add3A_652 : i32
        %dma_start3A_654 = arith.constant 9 : i32
        %dma_start3A_655 = arith.constant 0 : i32
        %dma_start3A_656 = arith.constant 0 : i32
        %dma_start3A_657 = tpu.memref_slice %arg6[%dma_start3A_654, %dma_start3A_655, %dma_start3A_656] : memref<10x64x128xf32, #tpu.memory_space<vmem>> -> memref<1x64x128xf32, #tpu.memory_space<vmem>>
        %dma_start3A_658 = tpu.memref_squeeze %dma_start3A_657 : memref<1x64x128xf32, #tpu.memory_space<vmem>> -> memref<64x128xf32, #tpu.memory_space<vmem>>
        %dma_start3A_659 = arith.constant 0 : i32
        %dma_start3A_660 = tpu.memref_slice %arg5[%add3A_653, %dma_start3A_659] : memref<100x64xi32, #tpu.memory_space<vmem>> -> memref<1x64xi32, #tpu.memory_space<vmem>>
        %dma_start3A_661 = tpu.memref_squeeze %dma_start3A_660 : memref<1x64xi32, #tpu.memory_space<vmem>> -> memref<64xi32, #tpu.memory_space<vmem>>
        %dma_start3A_662 = arith.constant 0 : i32
        %dma_start3A_663 = arith.constant 0 : i32
        %dma_start3A_664 = tpu.memref_slice %arg3[%dma_start3A_662, %dma_start3A_663] : memref<100000x128xf32, #tpu.memory_space<hbm>> -> memref<100000x128xf32, #tpu.memory_space<hbm>>
        tpu.enqueue_indirect_dma source(%dma_start3A_664 : memref<100000x128xf32, #tpu.memory_space<hbm>>) target(%dma_start3A_658 : memref<64x128xf32, #tpu.memory_space<vmem>>) offsets(%dma_start3A_661 : memref<64xi32, #tpu.memory_space<vmem>>) semaphore(%arg16 : memref<!tpu.dma_semaphore, #tpu.memory_space<semaphore_mem>>)
      } else {
      }
    }
    %scan3A_126 = arith.constant 10 : i32
    %add3A_127 = arith.constant 5760 : i32
    %add3A_128 = arith.addi %mul3A_2, %add3A_127 : i32
    %dma_wait3A = arith.constant 0 : i32
    %dma_wait3A_129 = arith.constant 0 : i32
    %dma_wait3A_130 = arith.constant 0 : i32
    %dma_wait3A_131 = tpu.memref_slice %arg6[%dma_wait3A, %dma_wait3A_129, %dma_wait3A_130] : memref<10x64x128xf32, #tpu.memory_space<vmem>> -> memref<1x64x128xf32, #tpu.memory_space<vmem>>
    %dma_wait3A_132 = tpu.memref_squeeze %dma_wait3A_131 : memref<1x64x128xf32, #tpu.memory_space<vmem>> -> memref<64x128xf32, #tpu.memory_space<vmem>>
    %dma_wait3A_133 = arith.constant 0 : i32
    %dma_wait3A_134 = tpu.memref_slice %arg4[%add3A_128, %dma_wait3A_133] : memref<204800x128xf32, #tpu.memory_space<hbm>> -> memref<64x128xf32, #tpu.memory_space<hbm>>
    %dma_wait3A_135 = arith.constant 0 : i32
    %dma_wait3A_136 = tpu.memref_slice %arg4[%add3A_128, %dma_wait3A_135] : memref<204800x128xf32, #tpu.memory_space<hbm>> -> memref<64x128xf32, #tpu.memory_space<hbm>>
    %dma_wait3A_137 = arith.constant 0 : i32
    %dma_wait3A_138 = arith.constant 0 : i32
    %dma_wait3A_139 = tpu.memref_slice %arg6[%dma_wait3A, %dma_wait3A_137, %dma_wait3A_138] : memref<10x64x128xf32, #tpu.memory_space<vmem>> -> memref<1x64x128xf32, #tpu.memory_space<vmem>>
    %dma_wait3A_140 = tpu.memref_squeeze %dma_wait3A_139 : memref<1x64x128xf32, #tpu.memory_space<vmem>> -> memref<64x128xf32, #tpu.memory_space<vmem>>
    tpu.wait_dma2 semaphore(%arg17 : memref<!tpu.dma_semaphore, #tpu.memory_space<semaphore_mem>>) src(%dma_wait3A_140 : memref<64x128xf32, #tpu.memory_space<vmem>>) dst(%dma_wait3A_136 : memref<64x128xf32, #tpu.memory_space<hbm>>)
    %add3A_141 = arith.constant 5824 : i32
    %add3A_142 = arith.addi %mul3A_2, %add3A_141 : i32
    %dma_wait3A_143 = arith.constant 1 : i32
    %dma_wait3A_144 = arith.constant 0 : i32
    %dma_wait3A_145 = arith.constant 0 : i32
    %dma_wait3A_146 = tpu.memref_slice %arg6[%dma_wait3A_143, %dma_wait3A_144, %dma_wait3A_145] : memref<10x64x128xf32, #tpu.memory_space<vmem>> -> memref<1x64x128xf32, #tpu.memory_space<vmem>>
    %dma_wait3A_147 = tpu.memref_squeeze %dma_wait3A_146 : memref<1x64x128xf32, #tpu.memory_space<vmem>> -> memref<64x128xf32, #tpu.memory_space<vmem>>
    %dma_wait3A_148 = arith.constant 0 : i32
    %dma_wait3A_149 = tpu.memref_slice %arg4[%add3A_142, %dma_wait3A_148] : memref<204800x128xf32, #tpu.memory_space<hbm>> -> memref<64x128xf32, #tpu.memory_space<hbm>>
    %dma_wait3A_150 = arith.constant 0 : i32
    %dma_wait3A_151 = tpu.memref_slice %arg4[%add3A_142, %dma_wait3A_150] : memref<204800x128xf32, #tpu.memory_space<hbm>> -> memref<64x128xf32, #tpu.memory_space<hbm>>
    %dma_wait3A_152 = arith.constant 0 : i32
    %dma_wait3A_153 = arith.constant 0 : i32
    %dma_wait3A_154 = tpu.memref_slice %arg6[%dma_wait3A_143, %dma_wait3A_152, %dma_wait3A_153] : memref<10x64x128xf32, #tpu.memory_space<vmem>> -> memref<1x64x128xf32, #tpu.memory_space<vmem>>
    %dma_wait3A_155 = tpu.memref_squeeze %dma_wait3A_154 : memref<1x64x128xf32, #tpu.memory_space<vmem>> -> memref<64x128xf32, #tpu.memory_space<vmem>>
    tpu.wait_dma2 semaphore(%arg18 : memref<!tpu.dma_semaphore, #tpu.memory_space<semaphore_mem>>) src(%dma_wait3A_155 : memref<64x128xf32, #tpu.memory_space<vmem>>) dst(%dma_wait3A_151 : memref<64x128xf32, #tpu.memory_space<hbm>>)
    %add3A_156 = arith.constant 5888 : i32
    %add3A_157 = arith.addi %mul3A_2, %add3A_156 : i32
    %dma_wait3A_158 = arith.constant 2 : i32
    %dma_wait3A_159 = arith.constant 0 : i32
    %dma_wait3A_160 = arith.constant 0 : i32
    %dma_wait3A_161 = tpu.memref_slice %arg6[%dma_wait3A_158, %dma_wait3A_159, %dma_wait3A_160] : memref<10x64x128xf32, #tpu.memory_space<vmem>> -> memref<1x64x128xf32, #tpu.memory_space<vmem>>
    %dma_wait3A_162 = tpu.memref_squeeze %dma_wait3A_161 : memref<1x64x128xf32, #tpu.memory_space<vmem>> -> memref<64x128xf32, #tpu.memory_space<vmem>>
    %dma_wait3A_163 = arith.constant 0 : i32
    %dma_wait3A_164 = tpu.memref_slice %arg4[%add3A_157, %dma_wait3A_163] : memref<204800x128xf32, #tpu.memory_space<hbm>> -> memref<64x128xf32, #tpu.memory_space<hbm>>
    %dma_wait3A_165 = arith.constant 0 : i32
    %dma_wait3A_166 = tpu.memref_slice %arg4[%add3A_157, %dma_wait3A_165] : memref<204800x128xf32, #tpu.memory_space<hbm>> -> memref<64x128xf32, #tpu.memory_space<hbm>>
    %dma_wait3A_167 = arith.constant 0 : i32
    %dma_wait3A_168 = arith.constant 0 : i32
    %dma_wait3A_169 = tpu.memref_slice %arg6[%dma_wait3A_158, %dma_wait3A_167, %dma_wait3A_168] : memref<10x64x128xf32, #tpu.memory_space<vmem>> -> memref<1x64x128xf32, #tpu.memory_space<vmem>>
    %dma_wait3A_170 = tpu.memref_squeeze %dma_wait3A_169 : memref<1x64x128xf32, #tpu.memory_space<vmem>> -> memref<64x128xf32, #tpu.memory_space<vmem>>
    tpu.wait_dma2 semaphore(%arg19 : memref<!tpu.dma_semaphore, #tpu.memory_space<semaphore_mem>>) src(%dma_wait3A_170 : memref<64x128xf32, #tpu.memory_space<vmem>>) dst(%dma_wait3A_166 : memref<64x128xf32, #tpu.memory_space<hbm>>)
    %add3A_171 = arith.constant 5952 : i32
    %add3A_172 = arith.addi %mul3A_2, %add3A_171 : i32
    %dma_wait3A_173 = arith.constant 3 : i32
    %dma_wait3A_174 = arith.constant 0 : i32
    %dma_wait3A_175 = arith.constant 0 : i32
    %dma_wait3A_176 = tpu.memref_slice %arg6[%dma_wait3A_173, %dma_wait3A_174, %dma_wait3A_175] : memref<10x64x128xf32, #tpu.memory_space<vmem>> -> memref<1x64x128xf32, #tpu.memory_space<vmem>>
    %dma_wait3A_177 = tpu.memref_squeeze %dma_wait3A_176 : memref<1x64x128xf32, #tpu.memory_space<vmem>> -> memref<64x128xf32, #tpu.memory_space<vmem>>
    %dma_wait3A_178 = arith.constant 0 : i32
    %dma_wait3A_179 = tpu.memref_slice %arg4[%add3A_172, %dma_wait3A_178] : memref<204800x128xf32, #tpu.memory_space<hbm>> -> memref<64x128xf32, #tpu.memory_space<hbm>>
    %dma_wait3A_180 = arith.constant 0 : i32
    %dma_wait3A_181 = tpu.memref_slice %arg4[%add3A_172, %dma_wait3A_180] : memref<204800x128xf32, #tpu.memory_space<hbm>> -> memref<64x128xf32, #tpu.memory_space<hbm>>
    %dma_wait3A_182 = arith.constant 0 : i32
    %dma_wait3A_183 = arith.constant 0 : i32
    %dma_wait3A_184 = tpu.memref_slice %arg6[%dma_wait3A_173, %dma_wait3A_182, %dma_wait3A_183] : memref<10x64x128xf32, #tpu.memory_space<vmem>> -> memref<1x64x128xf32, #tpu.memory_space<vmem>>
    %dma_wait3A_185 = tpu.memref_squeeze %dma_wait3A_184 : memref<1x64x128xf32, #tpu.memory_space<vmem>> -> memref<64x128xf32, #tpu.memory_space<vmem>>
    tpu.wait_dma2 semaphore(%arg20 : memref<!tpu.dma_semaphore, #tpu.memory_space<semaphore_mem>>) src(%dma_wait3A_185 : memref<64x128xf32, #tpu.memory_space<vmem>>) dst(%dma_wait3A_181 : memref<64x128xf32, #tpu.memory_space<hbm>>)
    %add3A_186 = arith.constant 6016 : i32
    %add3A_187 = arith.addi %mul3A_2, %add3A_186 : i32
    %dma_wait3A_188 = arith.constant 4 : i32
    %dma_wait3A_189 = arith.constant 0 : i32
    %dma_wait3A_190 = arith.constant 0 : i32
    %dma_wait3A_191 = tpu.memref_slice %arg6[%dma_wait3A_188, %dma_wait3A_189, %dma_wait3A_190] : memref<10x64x128xf32, #tpu.memory_space<vmem>> -> memref<1x64x128xf32, #tpu.memory_space<vmem>>
    %dma_wait3A_192 = tpu.memref_squeeze %dma_wait3A_191 : memref<1x64x128xf32, #tpu.memory_space<vmem>> -> memref<64x128xf32, #tpu.memory_space<vmem>>
    %dma_wait3A_193 = arith.constant 0 : i32
    %dma_wait3A_194 = tpu.memref_slice %arg4[%add3A_187, %dma_wait3A_193] : memref<204800x128xf32, #tpu.memory_space<hbm>> -> memref<64x128xf32, #tpu.memory_space<hbm>>
    %dma_wait3A_195 = arith.constant 0 : i32
    %dma_wait3A_196 = tpu.memref_slice %arg4[%add3A_187, %dma_wait3A_195] : memref<204800x128xf32, #tpu.memory_space<hbm>> -> memref<64x128xf32, #tpu.memory_space<hbm>>
    %dma_wait3A_197 = arith.constant 0 : i32
    %dma_wait3A_198 = arith.constant 0 : i32
    %dma_wait3A_199 = tpu.memref_slice %arg6[%dma_wait3A_188, %dma_wait3A_197, %dma_wait3A_198] : memref<10x64x128xf32, #tpu.memory_space<vmem>> -> memref<1x64x128xf32, #tpu.memory_space<vmem>>
    %dma_wait3A_200 = tpu.memref_squeeze %dma_wait3A_199 : memref<1x64x128xf32, #tpu.memory_space<vmem>> -> memref<64x128xf32, #tpu.memory_space<vmem>>
    tpu.wait_dma2 semaphore(%arg21 : memref<!tpu.dma_semaphore, #tpu.memory_space<semaphore_mem>>) src(%dma_wait3A_200 : memref<64x128xf32, #tpu.memory_space<vmem>>) dst(%dma_wait3A_196 : memref<64x128xf32, #tpu.memory_space<hbm>>)
    %add3A_201 = arith.constant 6080 : i32
    %add3A_202 = arith.addi %mul3A_2, %add3A_201 : i32
    %dma_wait3A_203 = arith.constant 5 : i32
    %dma_wait3A_204 = arith.constant 0 : i32
    %dma_wait3A_205 = arith.constant 0 : i32
    %dma_wait3A_206 = tpu.memref_slice %arg6[%dma_wait3A_203, %dma_wait3A_204, %dma_wait3A_205] : memref<10x64x128xf32, #tpu.memory_space<vmem>> -> memref<1x64x128xf32, #tpu.memory_space<vmem>>
    %dma_wait3A_207 = tpu.memref_squeeze %dma_wait3A_206 : memref<1x64x128xf32, #tpu.memory_space<vmem>> -> memref<64x128xf32, #tpu.memory_space<vmem>>
    %dma_wait3A_208 = arith.constant 0 : i32
    %dma_wait3A_209 = tpu.memref_slice %arg4[%add3A_202, %dma_wait3A_208] : memref<204800x128xf32, #tpu.memory_space<hbm>> -> memref<64x128xf32, #tpu.memory_space<hbm>>
    %dma_wait3A_210 = arith.constant 0 : i32
    %dma_wait3A_211 = tpu.memref_slice %arg4[%add3A_202, %dma_wait3A_210] : memref<204800x128xf32, #tpu.memory_space<hbm>> -> memref<64x128xf32, #tpu.memory_space<hbm>>
    %dma_wait3A_212 = arith.constant 0 : i32
    %dma_wait3A_213 = arith.constant 0 : i32
    %dma_wait3A_214 = tpu.memref_slice %arg6[%dma_wait3A_203, %dma_wait3A_212, %dma_wait3A_213] : memref<10x64x128xf32, #tpu.memory_space<vmem>> -> memref<1x64x128xf32, #tpu.memory_space<vmem>>
    %dma_wait3A_215 = tpu.memref_squeeze %dma_wait3A_214 : memref<1x64x128xf32, #tpu.memory_space<vmem>> -> memref<64x128xf32, #tpu.memory_space<vmem>>
    tpu.wait_dma2 semaphore(%arg22 : memref<!tpu.dma_semaphore, #tpu.memory_space<semaphore_mem>>) src(%dma_wait3A_215 : memref<64x128xf32, #tpu.memory_space<vmem>>) dst(%dma_wait3A_211 : memref<64x128xf32, #tpu.memory_space<hbm>>)
    %add3A_216 = arith.constant 6144 : i32
    %add3A_217 = arith.addi %mul3A_2, %add3A_216 : i32
    %dma_wait3A_218 = arith.constant 6 : i32
    %dma_wait3A_219 = arith.constant 0 : i32
    %dma_wait3A_220 = arith.constant 0 : i32
    %dma_wait3A_221 = tpu.memref_slice %arg6[%dma_wait3A_218, %dma_wait3A_219, %dma_wait3A_220] : memref<10x64x128xf32, #tpu.memory_space<vmem>> -> memref<1x64x128xf32, #tpu.memory_space<vmem>>
    %dma_wait3A_222 = tpu.memref_squeeze %dma_wait3A_221 : memref<1x64x128xf32, #tpu.memory_space<vmem>> -> memref<64x128xf32, #tpu.memory_space<vmem>>
    %dma_wait3A_223 = arith.constant 0 : i32
    %dma_wait3A_224 = tpu.memref_slice %arg4[%add3A_217, %dma_wait3A_223] : memref<204800x128xf32, #tpu.memory_space<hbm>> -> memref<64x128xf32, #tpu.memory_space<hbm>>
    %dma_wait3A_225 = arith.constant 0 : i32
    %dma_wait3A_226 = tpu.memref_slice %arg4[%add3A_217, %dma_wait3A_225] : memref<204800x128xf32, #tpu.memory_space<hbm>> -> memref<64x128xf32, #tpu.memory_space<hbm>>
    %dma_wait3A_227 = arith.constant 0 : i32
    %dma_wait3A_228 = arith.constant 0 : i32
    %dma_wait3A_229 = tpu.memref_slice %arg6[%dma_wait3A_218, %dma_wait3A_227, %dma_wait3A_228] : memref<10x64x128xf32, #tpu.memory_space<vmem>> -> memref<1x64x128xf32, #tpu.memory_space<vmem>>
    %dma_wait3A_230 = tpu.memref_squeeze %dma_wait3A_229 : memref<1x64x128xf32, #tpu.memory_space<vmem>> -> memref<64x128xf32, #tpu.memory_space<vmem>>
    tpu.wait_dma2 semaphore(%arg23 : memref<!tpu.dma_semaphore, #tpu.memory_space<semaphore_mem>>) src(%dma_wait3A_230 : memref<64x128xf32, #tpu.memory_space<vmem>>) dst(%dma_wait3A_226 : memref<64x128xf32, #tpu.memory_space<hbm>>)
    %add3A_231 = arith.constant 6208 : i32
    %add3A_232 = arith.addi %mul3A_2, %add3A_231 : i32
    %dma_wait3A_233 = arith.constant 7 : i32
    %dma_wait3A_234 = arith.constant 0 : i32
    %dma_wait3A_235 = arith.constant 0 : i32
    %dma_wait3A_236 = tpu.memref_slice %arg6[%dma_wait3A_233, %dma_wait3A_234, %dma_wait3A_235] : memref<10x64x128xf32, #tpu.memory_space<vmem>> -> memref<1x64x128xf32, #tpu.memory_space<vmem>>
    %dma_wait3A_237 = tpu.memref_squeeze %dma_wait3A_236 : memref<1x64x128xf32, #tpu.memory_space<vmem>> -> memref<64x128xf32, #tpu.memory_space<vmem>>
    %dma_wait3A_238 = arith.constant 0 : i32
    %dma_wait3A_239 = tpu.memref_slice %arg4[%add3A_232, %dma_wait3A_238] : memref<204800x128xf32, #tpu.memory_space<hbm>> -> memref<64x128xf32, #tpu.memory_space<hbm>>
    %dma_wait3A_240 = arith.constant 0 : i32
    %dma_wait3A_241 = tpu.memref_slice %arg4[%add3A_232, %dma_wait3A_240] : memref<204800x128xf32, #tpu.memory_space<hbm>> -> memref<64x128xf32, #tpu.memory_space<hbm>>
    %dma_wait3A_242 = arith.constant 0 : i32
    %dma_wait3A_243 = arith.constant 0 : i32
    %dma_wait3A_244 = tpu.memref_slice %arg6[%dma_wait3A_233, %dma_wait3A_242, %dma_wait3A_243] : memref<10x64x128xf32, #tpu.memory_space<vmem>> -> memref<1x64x128xf32, #tpu.memory_space<vmem>>
    %dma_wait3A_245 = tpu.memref_squeeze %dma_wait3A_244 : memref<1x64x128xf32, #tpu.memory_space<vmem>> -> memref<64x128xf32, #tpu.memory_space<vmem>>
    tpu.wait_dma2 semaphore(%arg24 : memref<!tpu.dma_semaphore, #tpu.memory_space<semaphore_mem>>) src(%dma_wait3A_245 : memref<64x128xf32, #tpu.memory_space<vmem>>) dst(%dma_wait3A_241 : memref<64x128xf32, #tpu.memory_space<hbm>>)
    %add3A_246 = arith.constant 6272 : i32
    %add3A_247 = arith.addi %mul3A_2, %add3A_246 : i32
    %dma_wait3A_248 = arith.constant 8 : i32
    %dma_wait3A_249 = arith.constant 0 : i32
    %dma_wait3A_250 = arith.constant 0 : i32
    %dma_wait3A_251 = tpu.memref_slice %arg6[%dma_wait3A_248, %dma_wait3A_249, %dma_wait3A_250] : memref<10x64x128xf32, #tpu.memory_space<vmem>> -> memref<1x64x128xf32, #tpu.memory_space<vmem>>
    %dma_wait3A_252 = tpu.memref_squeeze %dma_wait3A_251 : memref<1x64x128xf32, #tpu.memory_space<vmem>> -> memref<64x128xf32, #tpu.memory_space<vmem>>
    %dma_wait3A_253 = arith.constant 0 : i32
    %dma_wait3A_254 = tpu.memref_slice %arg4[%add3A_247, %dma_wait3A_253] : memref<204800x128xf32, #tpu.memory_space<hbm>> -> memref<64x128xf32, #tpu.memory_space<hbm>>
    %dma_wait3A_255 = arith.constant 0 : i32
    %dma_wait3A_256 = tpu.memref_slice %arg4[%add3A_247, %dma_wait3A_255] : memref<204800x128xf32, #tpu.memory_space<hbm>> -> memref<64x128xf32, #tpu.memory_space<hbm>>
    %dma_wait3A_257 = arith.constant 0 : i32
    %dma_wait3A_258 = arith.constant 0 : i32
    %dma_wait3A_259 = tpu.memref_slice %arg6[%dma_wait3A_248, %dma_wait3A_257, %dma_wait3A_258] : memref<10x64x128xf32, #tpu.memory_space<vmem>> -> memref<1x64x128xf32, #tpu.memory_space<vmem>>
    %dma_wait3A_260 = tpu.memref_squeeze %dma_wait3A_259 : memref<1x64x128xf32, #tpu.memory_space<vmem>> -> memref<64x128xf32, #tpu.memory_space<vmem>>
    tpu.wait_dma2 semaphore(%arg25 : memref<!tpu.dma_semaphore, #tpu.memory_space<semaphore_mem>>) src(%dma_wait3A_260 : memref<64x128xf32, #tpu.memory_space<vmem>>) dst(%dma_wait3A_256 : memref<64x128xf32, #tpu.memory_space<hbm>>)
    %add3A_261 = arith.constant 6336 : i32
    %add3A_262 = arith.addi %mul3A_2, %add3A_261 : i32
    %dma_wait3A_263 = arith.constant 9 : i32
    %dma_wait3A_264 = arith.constant 0 : i32
    %dma_wait3A_265 = arith.constant 0 : i32
    %dma_wait3A_266 = tpu.memref_slice %arg6[%dma_wait3A_263, %dma_wait3A_264, %dma_wait3A_265] : memref<10x64x128xf32, #tpu.memory_space<vmem>> -> memref<1x64x128xf32, #tpu.memory_space<vmem>>
    %dma_wait3A_267 = tpu.memref_squeeze %dma_wait3A_266 : memref<1x64x128xf32, #tpu.memory_space<vmem>> -> memref<64x128xf32, #tpu.memory_space<vmem>>
    %dma_wait3A_268 = arith.constant 0 : i32
    %dma_wait3A_269 = tpu.memref_slice %arg4[%add3A_262, %dma_wait3A_268] : memref<204800x128xf32, #tpu.memory_space<hbm>> -> memref<64x128xf32, #tpu.memory_space<hbm>>
    %dma_wait3A_270 = arith.constant 0 : i32
    %dma_wait3A_271 = tpu.memref_slice %arg4[%add3A_262, %dma_wait3A_270] : memref<204800x128xf32, #tpu.memory_space<hbm>> -> memref<64x128xf32, #tpu.memory_space<hbm>>
    %dma_wait3A_272 = arith.constant 0 : i32
    %dma_wait3A_273 = arith.constant 0 : i32
    %dma_wait3A_274 = tpu.memref_slice %arg6[%dma_wait3A_263, %dma_wait3A_272, %dma_wait3A_273] : memref<10x64x128xf32, #tpu.memory_space<vmem>> -> memref<1x64x128xf32, #tpu.memory_space<vmem>>
    %dma_wait3A_275 = tpu.memref_squeeze %dma_wait3A_274 : memref<1x64x128xf32, #tpu.memory_space<vmem>> -> memref<64x128xf32, #tpu.memory_space<vmem>>
    tpu.wait_dma2 semaphore(%arg26 : memref<!tpu.dma_semaphore, #tpu.memory_space<semaphore_mem>>) src(%dma_wait3A_275 : memref<64x128xf32, #tpu.memory_space<vmem>>) dst(%dma_wait3A_271 : memref<64x128xf32, #tpu.memory_space<hbm>>)
    return
  }
}

</mosaic_0001>

<sc_bundles>
// kernel: kernel.3.cloned.1.call-start
scs
__scs_entry_jumppad:
0x0: {  	(pc) =	sbr.rel $0x88, $3  }
0x1: {  	(tag) =	ssettag $0x0;
	lr =	simm.s32 $0x1  }
0x2: {  	[smem:$0x3F9F] =	sst lr;
	_ =	strace $0xD0000000  }
0x3: {  	_ = 	snop  }
0x4: {  	_ = 	snop  }
0x5: {  	_ = 	snop  }
0x6: {  	_ = 	snop  }
0x7: {  	_ = 	snop  }
__scs_overlays_trampoline_lowered:
0x8: {  	[smem:$0x3FAE] =	sst s0  }
0x9: {  	[smem:$0x3FAF] =	sst s1  }
0xa: {  	[smem:$0x3FB0] =	sst s2  }
0xb: {  	[smem:$0x3FB1] =	sst s3  }
0xc: {  	[smem:$0x3FB2] =	sst s4  }
0xd: {  	[smem:$0x3FB3] =	sst s5  }
0xe: {  	[smem:$0x3FB4] =	sst s6  }
0xf: {  	[smem:$0x3FB5] =	sst s7  }
0x10: {  	[smem:$0x3FB6] =	sst s8  }
0x11: {  	[smem:$0x3FB7] =	sst s9;
	s0 =	simm.s32 @!p0 $0x0  }
0x12: {  	s1 =	sld [smem:$0x3F9D];
	s0 =	simm.s32 @p0 $0x1  }
0x13: {  	[smem:$0x3FB8] =	sst s0;
	s0 =	simm.s32 @!p1 $0x0  }
0x14: {  	s2 =	sld [smem:$0x3F9C];
	s0 =	simm.s32 @p1 $0x1  }
0x15: {  	[smem:$0x3FB9] =	sst s0;
	s0 =	simm.s32 @!p2 $0x0  }
0x16: {  	s3 =	sld [smem:$0x3FDB];
	s0 =	simm.s32 @p2 $0x1  }
0x17: {  	s4 =	simm.s32 $0x1BF5;
	[smem:$0x3FBB] =	sst s0  }
0x18: {  	s0 =	sld [smem:$0x3F9E];
	_ =	swait.ge [sflag:s4], $0x0  }
0x19: {  	s7 =	sld [smem:$0x3F9F]  }
0x1a: {  	s8 =	sadd.s32 $0xFFFFE003, lr  }
0x1b: {  	s9 =	sadd.s32 $0xFFFFFEF7, lr;
	s5 =	simm.s32 $0xFFFFFFFF;
	p2 =	slt.u32 s8, $0xFFFFF086  }
0x1c: {  	p1 =	slt.u32 s9, $0xF7A;
	s5 =	simm.s32 @!p2 $0x0  }
0x1d: {  	s5 =	simm.s32 @p1 $0x1;
	p0 =	seq.s32 s7, s2  }
0x1e: {  	s7 =	smul.u32 @!p0 $0xF7A, s2;
	p2 =	seq.s32 @!p0 s5, $0x0  }
0x1f: {  	s9 =	smul.u32 $0xF7A, s1;
	s8 =	simm.s32 @!p0 $0x1BF5;
	p2 =	por !p2, p0  }
0x20: {  	[sflag:s8] =	ssyncset.s32 @!p0 $0xFFFFF086;
	s6 =	sadd.s32 @!p0 s3, s7;
	s7 =	simm.s32 @!p0 $0x108  }
0x21: {  	s3 =	sadd.s32 s3, s9;
	s6 =	sadd.s32 @!p0 $0x88, s6;
	s7 =	simm.s32 @p2 $0x1082  }
0x22: {  	[simem:s7], [sflag:s8] =	dma.local @!p0 [hbm:s6], $0xF7A  }
0x23: {  	s9 =	sor.u32 $0xD0000000, s2;
	s6 =	simm.s32 $0x108;
	_ =	swait.ge @!p0 [sflag:s8], $0x0  }
0x24: {  	s3 =	sadd.s32 $0x88, s3;
	s6 =	simm.s32 @!p1 $0x1082;
	[sflag:s4] =	ssyncset.s32 $0xFFFFF086  }
0x25: {  	[simem:s6], [sflag:s4] =	dma.local [hbm:s3], $0xF7A  }
0x26: {  	[smem:$0x3F9F] =	sst s1;
	(tag) =	ssettag s2;
	_ =	strace s9  }
0x27: {  	s1 =	sld [smem:$0x3FAF]  }
0x28: {  	s2 =	sld [smem:$0x3FB0]  }
0x29: {  	s4 =	sld [smem:$0x3FB2]  }
0x2a: {  	p0 =	seq.s32 s5, $0x0;
	s5 =	sld [smem:$0x3FB3]  }
0x2b: {  	s6 =	sld [smem:$0x3FB4]  }
0x2c: {  	s7 =	sld [smem:$0x3FB5]  }
0x2d: {  	s3 =	simm.s32 $0x108;
	s8 =	sld [smem:$0x3FB6]  }
0x2e: {  	s3 =	simm.s32 @!p0 $0x1082;
	s9 =	sld [smem:$0x3FB7]  }
0x2f: {  	lr =	sadd.s32 s0, s3;
	s0 =	sld [smem:$0x3FAE]  }
0x30: {  	s3 =	sld [smem:$0x3FB1]  }
0x31: {  	[smem:$0x3FBA] =	sst s10  }
0x32: {  	s10 =	sld [smem:$0x3FB8];
	_ =	sdelay $0x3  }
0x33: {  	p0 =	seq.s32 s10, $0x1;
	s10 =	sld [smem:$0x3FBA];
	_ =	sdelay $0x3  }
0x34: {  	[smem:$0x3FBA] =	sst s10  }
0x35: {  	s10 =	sld [smem:$0x3FB9];
	_ =	sdelay $0x3  }
0x36: {  	p1 =	seq.s32 s10, $0x1;
	s10 =	sld [smem:$0x3FBA];
	_ =	sdelay $0x3  }
0x37: {  	[smem:$0x3FBA] =	sst s10  }
0x38: {  	s10 =	sld [smem:$0x3FBB]  }
0x39: {  	_ = 	snop;
	(pc) =	sbr.ind lr, $3  }
0x3a: {  	_ = 	snop  }
0x3b: {  	_ = 	snop  }
0x3c: {  	p2 =	seq.s32 s10, $0x1;
	s10 =	sld [smem:$0x3FBA]  }
0x3d: {  	_ =	shalt  }
0x3e: {  	_ =	shalt  }
0x3f: {  	_ =	shalt  }
0x40: {  	_ =	shalt  }
0x41: {  	_ =	shalt  }
0x42: {  	_ =	shalt  }
0x43: {  	_ =	shalt  }
0x44: {  	_ =	shalt  }
0x45: {  	_ =	shalt  }
0x46: {  	_ =	shalt  }
0x47: {  	_ =	shalt  }
0x48: {  	_ =	shalt  }
0x49: {  	_ =	shalt  }
0x4a: {  	_ =	shalt  }
0x4b: {  	_ =	shalt  }
0x4c: {  	_ =	shalt  }
0x4d: {  	_ =	shalt  }
0x4e: {  	_ =	shalt  }
0x4f: {  	_ =	shalt  }
0x50: {  	_ =	shalt  }
0x51: {  	_ =	shalt  }
0x52: {  	_ =	shalt  }
0x53: {  	_ =	shalt  }
0x54: {  	_ =	shalt  }
0x55: {  	_ =	shalt  }
0x56: {  	_ =	shalt  }
0x57: {  	_ =	shalt  }
0x58: {  	_ =	shalt  }
0x59: {  	_ =	shalt  }
0x5a: {  	_ =	shalt  }
0x5b: {  	_ =	shalt  }
0x5c: {  	_ =	shalt  }
0x5d: {  	_ =	shalt  }
0x5e: {  	_ =	shalt  }
0x5f: {  	_ =	shalt  }
0x60: {  	_ =	shalt  }
0x61: {  	_ =	shalt  }
0x62: {  	_ =	shalt  }
0x63: {  	_ =	shalt  }
0x64: {  	_ =	shalt  }
0x65: {  	_ =	shalt  }
0x66: {  	_ =	shalt  }
0x67: {  	_ =	shalt  }
0x68: {  	_ =	shalt  }
0x69: {  	_ =	shalt  }
0x6a: {  	_ =	shalt  }
0x6b: {  	_ =	shalt  }
0x6c: {  	_ =	shalt  }
0x6d: {  	_ =	shalt  }
0x6e: {  	_ =	shalt  }
0x6f: {  	_ =	shalt  }
0x70: {  	_ =	shalt  }
0x71: {  	_ =	shalt  }
0x72: {  	_ =	shalt  }
0x73: {  	_ =	shalt  }
0x74: {  	_ =	shalt  }
0x75: {  	_ =	shalt  }
0x76: {  	_ =	shalt  }
0x77: {  	_ =	shalt  }
0x78: {  	_ =	shalt  }
0x79: {  	_ =	shalt  }
0x7a: {  	_ =	shalt  }
0x7b: {  	_ =	shalt  }
0x7c: {  	_ =	shalt  }
0x7d: {  	_ =	shalt  }
0x7e: {  	_ =	shalt  }
0x7f: {  	_ =	shalt  }
0x80: {  	_ =	shalt  }
0x81: {  	_ =	shalt  }
0x82: {  	_ =	shalt  }
0x83: {  	_ =	shalt  }
0x84: {  	_ =	shalt  }
0x85: {  	_ =	shalt  }
0x86: {  	_ =	shalt  }
0x87: {  	_ =	shalt  }
.Lfunc_end0:
.L_simem_size_0:
called_computation_lowered:
.L_overlay_start_0:
0x88: {  	s2 =	sld [smem:$0x3FD9]  }
0x89: {  	s3 =	sld [smem:$0x3FFE];
	_ =	sdelay $0x1  }
0x8a: {  	s1 =	srdreg.scid  }
0x8b: {  	s0 =	sand.u32 $0x1, s1  }
0x8c: {  	s17 =	sshll.u32 s0, $0xA;
	s2 =	sadd.s32 s3, s2  }
0x8d: {  	s2 =	sadd.s32 s2, s17  }
0x8e: {  	[smem:$0x3FC6] =	sst s2  }
0x8f: {  	_ = 	snop  }
0x90: {  	s2 =	sld [smem:$0x3FC8]  }
0x91: {  	s18 =	sld [smem:$0x3FD0];
	(tm) =	ssettm $0x1  }
0x92: {  	s4 =	sld [smem:$0x3FFB];
	_ =	sdelay $0x3  }
0x93: {  	_ =	strace s4  }
0x94: {  	s4 =	sld [smem:$0x3FFC];
	_ =	sdelay $0x3  }
0x95: {  	_ =	strace s4  }
0x96: {  	s4 =	sld [smem:$0x3FFD];
	_ =	sdelay $0x3  }
0x97: {  	_ =	strace s4  }
0x98: {  	_ =	strace $0x8FFFFFFF  }
0x99: {  	s19 =	sld [smem:$0x3FDB];
	_ =	sdelay $0x1  }
0x9a: {  	s5 =	simm.s32 $_scs_section_size  }
0x9b: {  	s6 =	simm.s32 $_size__tile_overlayer_lowered;
	s7 =	simm.s32 $_tile_overlayer_lowered  }
0x9c: {  	s22 =	simm.s32 $0x1BFF;
	s21 =	sshll.u32 s7, $0x1;
	s4 =	sadd.s32 s5, s19  }
0x9d: {  	s8 =	simm.s32 $0x0;
	s20 =	sshll.u32 s6, $0x1;
	s6 =	sadd.s32 s21, s4  }
0x9e: {  	[timem:s8], [sflag:s22] =	dma.local [hbm:s6], s20  }
0x9f: {  	_ =	swait.ge [sflag:s22], s20  }
0xa0: {  	s5 =	ssub.s32 $0x0, s20;
	[sflag:s22] =	ssyncset.done $0x0  }
0xa1: {  	[sflag:s22] =	ssyncadd.s32 s5;
	_ =	sdelay $0x1  }
0xa2: {  	s23 =	simm.s32 $0x1B8B  }
0xa3: {  	_ =	swait.ge [sflag:s23], $0x1  }
0xa4: {  	[sflag:s23] =	ssyncset.done $0x0  }
0xa5: {  	s25 =	simm.s32 $0x1B8E;
	s24 =	sld [smem:$0x3FFE];
	[sflag:s23] =	ssyncadd.s32 $0xFFFFFFFF  }
0xa6: {  	s26 =	simm.s32 $execute0_lowered;
	[smem:$0x3FD2] =	sst s25  }
0xa7: {  	s6 =	sshll.u32 s26, $0x1;
	_ =	strace $0x80000046;
	[dreg:$0x1] =	wrdreg $0xFFFFFFFF  }
0xa8: {  	s28 =	simm.s32 $_size_execute0_lowered;
	s4 =	sadd.s32 s4, s6;
	[dreg:$0x0] =	wrdreg $0x0  }
0xa9: {  	s6 =	sshll.u32 s28, $0x1;
	[dreg:$0x2] =	wrdreg s4  }
0xaa: {  	[dreg:$0x3] =	wrdreg s6  }
0xab: {  	[dreg:$0x4] =	wrdreg $0xC0  }
0xac: {  	_ =	task [dreg:s8], $0x5FFFF  }
0xad: {  	[dreg:$0x1] =	wrdreg $0xFFFFFFFF  }
0xae: {  	[dreg:$0x0] =	wrdreg $0x60  }
0xaf: {  	[dreg:$0x2] =	wrdreg s24  }
0xb0: {  	[dreg:$0x3] =	wrdreg s2  }
0xb1: {  	[dreg:$0x4] =	wrdreg s18  }
0xb2: {  	[dreg:$0x5] =	wrdreg $0x9  }
0xb3: {  	_ =	task.clear_ibuf [dreg:s8], $0x6FFFF;
	_ =	strace $0x90000046  }
0xb4: {  	s29 =	simm.s32 $0x9;
	_ =	strace $0x80000048  }
0xb5: {  	_ =	swait.ge [sflag:s29], $0x1  }
0xb6: {  	[sflag:s29] =	ssyncadd.s32 $0xFFFFFFFF  }
0xb7: {  	_ =	strace $0x90000048  }
0xb8: {  	_ =	sfence  }
0xb9: {  	s30 =	sld [smem:$0x0];
	_ =	sdelay $0x2  }
0xba: {  	s31 =	sshll.u32 s1, $0xD;
	s1 =	sshrl.u32 s1, $0x2  }
0xbb: {  	s3 =	sand.u32 $0x4000, s31;
	s1 =	sadd.s32 s1, s30  }
0xbc: {  	s0 =	sor.u32 s3, s0;
	s1 =	sshll.u32 s1, $0x11  }
0xbd: {  	s0 =	sor.u32 s1, s0  }
0xbe: {  	s0 =	sadd.s32 $0x8F2B, s0  }
0xbf: {  	[sflag:s0] =	ssyncadd.remote.s32 $0x1  }
0xc0: {  	_ =	sfence.sel $0xFFFF  }
0xc1: {  	[dreg:$0x0] =	wrdreg $0xFFFFFFFF;
	(pc) =	sbr.abs _section_cstart, $3  }
0xc2: {  	[dreg:$0x1] =	wrdreg $0xFFFFFFFF  }
0xc3: {  	_ =	task.clear_ibuf [dreg:s8], $0x2FFFF;
	_ =	strace $0x9FFFFFFF  }
0xc4: {  	(tm) =	ssettm $0x7FFFFFFF  }
0xc5: {  	_ =	shalt  }
tec
execute0_lowered:
.L_overlay_start_1:
0x0: {  	(tag) =	ssettag $0x1  }
0x1: {  	s0 =	rddreg [dreg:$0x0]  }
0x2: {  	s2 =	rddreg [dreg:$0x1]  }
0x3: {  	s1 =	srdreg.scid;
	s9 =	stileid.u32  }
0x4: {  	s4 =	rddreg [dreg:$0x2];
	s13 =	simm.s32 $0x40;
	s14 =	simm.s32 $0x3400  }
0x5: {  	s18 =	simm.s32 $0x7400;
	s22 =	simm.s32 $0xB400;
	s31 =	simm.s32 $0x13400  }
0x6: {  	s15 =	simm.s32 $0x1;
	s16 =	simm.s32 $0x3;
	s17 =	simm.s32 $0x5  }
0x7: {  	s19 =	simm.s32 $0x7;
	s20 =	simm.s32 $0x9;
	s21 =	simm.s32 $0xA  }
0x8: {  	s10 =	simm.s32 $0x14;
	s1 =	sand.u32 $0x1, s1;
	s3 =	sshll.u32 s9, $0x1  }
0x9: {  	s11 =	simm.s32 $0x0;
	s29 =	smul.u32 $0x32000, s9;
	s5 =	sor.u32 s1, s3  }
0xa: {  	s3 =	simm.s32 $0x0;
	s7 =	ssub.s32 $0x2, s1;
	s6 =	smul.u32 $0x680, s5  }
0xb: {  	[smem:$0x7FF] =	sst s3;
	s8 =	sshrl.u32 s7, $0x1;
	s5 =	smul.u32 $0x19000, s5  }
0xc: {  	s1 =	smul.u32 $0x19000, s1;
	_ =	strace $0x80000047;
	s26 =	ssub.s32 s7, s8  }
0xd: {  	s0 =	sadd.s32 s6, s0;
	s28 =	sadd.s32 s4, s5;
	s6 =	smax.u32 s26, $0x1  }
0xe: {  	s4 =	sadd.s32 s29, s4;
	s26 =	simm.s32 $0xF400;
	s5 =	simm.s32 $0x13  }
.Ltmp0:
0xf: {  	s0 =	sadd.s32 $0x400, s0;
	[dreg:$0x5] =	wrdreg s6;
	(pc) =	sbr.rel .LBB2_1-.Ltmp0, $4  }
0x10: {  	s6 =	sadd.s32 $0x16C00, s28;
	s7 =	sadd.s32 $0x17400, s28;
	s8 =	sadd.s32 $0x17C00, s28  }
0x11: {  	s30 =	sadd.s32 s1, s4;
	[dreg:$0x4] =	wrdreg s0;
	s0 =	sadd.s32 $0x18C00, s28  }
0x12: {  	s9 =	sadd.s32 $0x18400, s28;
	[dreg:$0x6] =	wrdreg s0;
	s0 =	sadd.s32 $0x2400, s30  }
0x13: {  	s4 =	simm.s32 $0x12;
	[dreg:$0x7] =	wrdreg s0;
	s0 =	simm.s32 $0x15400  }
.LBB2_4:
0x14: {  	_ =	swait.ge [sflag:s21], $0x2000  }
0x15: {  	[sflag:s21] =	ssyncset.done $0x0  }
0x16: {  	s30 =	simm.s32 $0xB;
	s1 =	rddreg [dreg:$0x6];
	[sflag:s21] =	ssyncadd.s32 $0xFFFFE000  }
0x17: {  	[hbm4b:s1+s3] =	stream.linear.scatter [tilespmem:s0], [sflag:$0x14], $0x2000, $0x38;
	[tilespmem:$0x17400] =	vst v63  }
0x18: {  	_ =	swait.ge [sflag:s30], $0x2000  }
0x19: {  	[sflag:s30] =	ssyncset.done $0x0  }
0x1a: {  	s12 =	simm.s32 $0xC;
	[sflag:s30] =	ssyncadd.s32 $0xFFFFE000  }
0x1b: {  	_ =	swait.ge [sflag:s12], $0x2000  }
0x1c: {  	[sflag:s12] =	ssyncset.done $0x0  }
0x1d: {  	s23 =	simm.s32 $0xD;
	[sflag:s12] =	ssyncadd.s32 $0xFFFFE000  }
0x1e: {  	_ =	swait.ge [sflag:s23], $0x2000  }
0x1f: {  	[sflag:s23] =	ssyncset.done $0x0  }
0x20: {  	s24 =	simm.s32 $0xE;
	[sflag:s23] =	ssyncadd.s32 $0xFFFFE000  }
0x21: {  	_ =	swait.ge [sflag:s24], $0x2000  }
0x22: {  	[sflag:s24] =	ssyncset.done $0x0  }
0x23: {  	s25 =	simm.s32 $0xF;
	[sflag:s24] =	ssyncadd.s32 $0xFFFFE000  }
0x24: {  	_ =	swait.ge [sflag:s25], $0x2000  }
0x25: {  	[sflag:s25] =	ssyncset.done $0x0  }
0x26: {  	s28 =	simm.s32 $0x10;
	[sflag:s25] =	ssyncadd.s32 $0xFFFFE000  }
0x27: {  	_ =	swait.ge [sflag:s28], $0x2000  }
0x28: {  	[sflag:s28] =	ssyncset.done $0x0  }
0x29: {  	s29 =	simm.s32 $0x11;
	[sflag:s28] =	ssyncadd.s32 $0xFFFFE000  }
0x2a: {  	_ =	swait.ge [sflag:s29], $0x2000  }
0x2b: {  	[sflag:s29] =	ssyncset.done $0x0  }
0x2c: {  	[sflag:s29] =	ssyncadd.s32 $0xFFFFE000  }
0x2d: {  	_ =	swait.ge [sflag:s4], $0x2000  }
0x2e: {  	[sflag:s4] =	ssyncset.done $0x0  }
0x2f: {  	[sflag:s4] =	ssyncadd.s32 $0xFFFFE000  }
0x30: {  	_ =	swait.ge [sflag:s5], $0x2000  }
0x31: {  	[sflag:s5] =	ssyncset.done $0x0  }
0x32: {  	[sflag:s5] =	ssyncadd.s32 $0xFFFFE000  }
0x33: {  	_ =	swait.ge [sflag:s10], $0x2000  }
0x34: {  	s11 =	sadd.s32 $0x1, s11;
	s30 =	rddreg [dreg:$0x5]  }
0x35: {  	p0 =	sne.s32 s11, s30  }
.Ltmp1:
0x36: {  	_ = 	snop;
	(pc) =	sbr.rel @!p0 .LBB2_5-.Ltmp1, $3  }
0x37: {  	_ =	sdelay $0x1  }
0x38: {  	[sflag:s10] =	ssyncset.done $0x0  }
0x39: {  	[sflag:s10] =	ssyncadd.s32 $0xFFFFE000  }
.LBB2_1:
0x3a: {  	s1 =	rddreg [dreg:$0x4];
	s23 =	simm.s32 $0x15  }
0x3b: {  	[tilespmem:s3], [sflag:$0x15] =	stream.linear.gather [hbm4b:s1+s3], $0x3200, $0x38;
	[tilespmem:$0x17400] =	vst v63  }
0x3c: {  	_ =	swait.ge [sflag:s23], $0x3200  }
0x3d: {  	[sflag:s23] =	ssyncset.done $0x0  }
0x3e: {  	[sflag:s23] =	ssyncadd.s32 $0xFFFFCE00  }
0x3f: {  	[tilespmem:s14], [sflag:$0x1] =	stream.indirect.gather [hbm4b:s2+s13], $0x80, s3, s13, $0xb8;
	[tilespmem:$0x17400] =	vst v63  }
0x40: {  	s24 =	simm.s32 $0x80;
	s12 =	simm.s32 $0x5400  }
0x41: {  	[tilespmem:s12], [sflag:$0x2] =	stream.indirect.gather [hbm4b:s2+s13], $0x80, s24, s13, $0xb8;
	[tilespmem:$0x17400] =	vst v63  }
0x42: {  	s25 =	simm.s32 $0x100  }
0x43: {  	[tilespmem:s18], [sflag:$0x3] =	stream.indirect.gather [hbm4b:s2+s13], $0x80, s25, s13, $0xb8;
	[tilespmem:$0x17400] =	vst v63  }
0x44: {  	s28 =	simm.s32 $0x180;
	s29 =	simm.s32 $0x9400  }
0x45: {  	[tilespmem:s29], [sflag:$0x4] =	stream.indirect.gather [hbm4b:s2+s13], $0x80, s28, s13, $0xb8;
	[tilespmem:$0x17400] =	vst v63  }
0x46: {  	s30 =	simm.s32 $0x200  }
0x47: {  	[tilespmem:s22], [sflag:$0x5] =	stream.indirect.gather [hbm4b:s2+s13], $0x80, s30, s13, $0xb8;
	[tilespmem:$0x17400] =	vst v63  }
0x48: {  	s23 =	simm.s32 $0xD400;
	s12 =	simm.s32 $0x280  }
0x49: {  	[tilespmem:s23], [sflag:$0x6] =	stream.indirect.gather [hbm4b:s2+s13], $0x80, s12, s13, $0xb8;
	[tilespmem:$0x17400] =	vst v63  }
0x4a: {  	s24 =	simm.s32 $0x300  }
0x4b: {  	[tilespmem:s26], [sflag:$0x7] =	stream.indirect.gather [hbm4b:s2+s13], $0x80, s24, s13, $0xb8;
	[tilespmem:$0x17400] =	vst v63  }
0x4c: {  	s25 =	simm.s32 $0x380;
	s28 =	simm.s32 $0x11400  }
0x4d: {  	[tilespmem:s28], [sflag:$0x8] =	stream.indirect.gather [hbm4b:s2+s13], $0x80, s25, s13, $0xb8;
	[tilespmem:$0x17400] =	vst v63  }
0x4e: {  	s29 =	simm.s32 $0x400  }
0x4f: {  	[tilespmem:s31], [sflag:$0x9] =	stream.indirect.gather [hbm4b:s2+s13], $0x80, s29, s13, $0xb8;
	[tilespmem:$0x17400] =	vst v63  }
0x50: {  	s30 =	simm.s32 $0x480;
	s12 =	rddreg [dreg:$0x7];
	s23 =	simm.s32 $0x0  }
0x51: {  	[tilespmem:s0], [sflag:$0xA] =	stream.indirect.gather [hbm4b:s2+s13], $0x80, s30, s13, $0xb8;
	[tilespmem:$0x17400] =	vst v63  }
.LBB2_2:
0x52: {  	_ =	swait.ge [sflag:s15], $0x2000  }
0x53: {  	[sflag:s15] =	ssyncset.done $0x0  }
0x54: {  	s24 =	sadd.s32 $0xFFFFDC00, s12;
	p0 =	seq.s32 s23, $0xB400;
	[sflag:s15] =	ssyncadd.s32 $0xFFFFE000  }
0x55: {  	[hbm4b:s24+s3] =	stream.linear.scatter [tilespmem:s14], [sflag:$0xB], $0x2000, $0x38;
	[tilespmem:$0x17400] =	vst v63  }
0x56: {  	s24 =	simm.s32 @p0 $0x2  }
0x57: {  	_ =	swait.ge @p0 [sflag:s24], $0x2000  }
0x58: {  	[sflag:s24] =	ssyncset.done @p0 $0x0  }
0x59: {  	s28 =	simm.s32 @p0 $0x0;
	[sflag:s24] =	ssyncadd.s32 @p0 $0xFFFFE000;
	s24 =	simm.s32 @p0 $0x5400  }
0x5a: {  	[hbm4b:s6+s28] =	stream.linear.scatter @p0 [tilespmem:s24], [sflag:$0xC], $0x2000, $0x38;
	[tilespmem:$0x17400] =	vst v63  }
0x5b: {  	s24 =	simm.s32 @!p0 $0xB  }
0x5c: {  	_ =	swait.ge @!p0 [sflag:s24], $0x2000  }
0x5d: {  	[sflag:s24] =	ssyncset.done @!p0 $0x0  }
0x5e: {  	[sflag:s24] =	ssyncadd.s32 @!p0 $0xFFFFE000;
	s24 =	sshra.s32 @!p0 s23, $0x2  }
0x5f: {  	s25 =	simm.s32 @!p0 $0x40;
	s30 =	simm.s32 @!p0 $0x3400;
	s29 =	sadd.s32 @!p0 $0x500, s24  }
0x60: {  	[tilespmem:s30], [sflag:$0x1] =	stream.indirect.gather @!p0 [hbm4b:s2+s25], $0x80, s29, s25, $0xb8;
	[tilespmem:$0x17400] =	vst v63  }
0x61: {  	s29 =	simm.s32 @!p0 $0x2  }
0x62: {  	_ =	swait.ge @!p0 [sflag:s29], $0x2000  }
0x63: {  	s1 =	simm.s32 @!p0 $0x5400;
	[sflag:s29] =	ssyncset.done @!p0 $0x0  }
0x64: {  	s30 =	sadd.s32 @!p0 $0xFFFFE000, s12;
	[sflag:s29] =	ssyncadd.s32 @!p0 $0xFFFFE000;
	s29 =	simm.s32 @!p0 $0x0  }
0x65: {  	[hbm4b:s30+s29] =	stream.linear.scatter @!p0 [tilespmem:s1], [sflag:$0xC], $0x2000, $0x38;
	[tilespmem:$0x17400] =	vst v63  }
0x66: {  	s30 =	simm.s32 @!p0 $0xC  }
0x67: {  	_ =	swait.ge @!p0 [sflag:s30], $0x2000  }
0x68: {  	[sflag:s30] =	ssyncset.done @!p0 $0x0  }
0x69: {  	[sflag:s30] =	ssyncadd.s32 @!p0 $0xFFFFE000;
	s30 =	sadd.s32 @!p0 $0x580, s24  }
0x6a: {  	[tilespmem:s1], [sflag:$0x2] =	stream.indirect.gather @!p0 [hbm4b:s2+s25], $0x80, s30, s25, $0xb8;
	[tilespmem:$0x17400] =	vst v63  }
0x6b: {  	_ =	swait.ge [sflag:s16], $0x2000  }
0x6c: {  	[sflag:s16] =	ssyncset.done $0x0  }
0x6d: {  	s30 =	sadd.s32 $0xFFFFE400, s12;
	s1 =	simm.s32 @p0 $0x4;
	[sflag:s16] =	ssyncadd.s32 $0xFFFFE000  }
0x6e: {  	[hbm4b:s30+s3] =	stream.linear.scatter [tilespmem:s18], [sflag:$0xD], $0x2000, $0x38;
	[tilespmem:$0x17400] =	vst v63  }
0x6f: {  	_ =	swait.ge @p0 [sflag:s1], $0x2000  }
0x70: {  	[sflag:s1] =	ssyncset.done @p0 $0x0  }
0x71: {  	[sflag:s1] =	ssyncadd.s32 @p0 $0xFFFFE000;
	s1 =	simm.s32 @p0 $0x9400  }
0x72: {  	[hbm4b:s7+s28] =	stream.linear.scatter @p0 [tilespmem:s1], [sflag:$0xE], $0x2000, $0x38;
	[tilespmem:$0x17400] =	vst v63  }
0x73: {  	s1 =	simm.s32 @!p0 $0xD  }
0x74: {  	_ =	swait.ge @!p0 [sflag:s1], $0x2000  }
0x75: {  	[sflag:s1] =	ssyncset.done @!p0 $0x0  }
0x76: {  	s30 =	simm.s32 @!p0 $0x7400;
	[sflag:s1] =	ssyncadd.s32 @!p0 $0xFFFFE000;
	s1 =	sadd.s32 @!p0 $0x600, s24  }
0x77: {  	[tilespmem:s30], [sflag:$0x3] =	stream.indirect.gather @!p0 [hbm4b:s2+s25], $0x80, s1, s25, $0xb8;
	[tilespmem:$0x17400] =	vst v63  }
0x78: {  	s1 =	simm.s32 @!p0 $0x4  }
0x79: {  	_ =	swait.ge @!p0 [sflag:s1], $0x2000  }
0x7a: {  	[sflag:s1] =	ssyncset.done @!p0 $0x0  }
0x7b: {  	s30 =	simm.s32 @!p0 $0x9400;
	[sflag:s1] =	ssyncadd.s32 @!p0 $0xFFFFE000;
	s1 =	sadd.s32 @!p0 $0xFFFFE800, s12  }
0x7c: {  	[hbm4b:s1+s29] =	stream.linear.scatter @!p0 [tilespmem:s30], [sflag:$0xE], $0x2000, $0x38;
	[tilespmem:$0x17400] =	vst v63  }
0x7d: {  	s1 =	simm.s32 @!p0 $0xE  }
0x7e: {  	_ =	swait.ge @!p0 [sflag:s1], $0x2000  }
0x7f: {  	[sflag:s1] =	ssyncset.done @!p0 $0x0  }
0x80: {  	[sflag:s1] =	ssyncadd.s32 @!p0 $0xFFFFE000;
	s1 =	sadd.s32 @!p0 $0x680, s24  }
0x81: {  	[tilespmem:s30], [sflag:$0x4] =	stream.indirect.gather @!p0 [hbm4b:s2+s25], $0x80, s1, s25, $0xb8;
	[tilespmem:$0x17400] =	vst v63  }
0x82: {  	_ =	swait.ge [sflag:s17], $0x2000  }
0x83: {  	[sflag:s17] =	ssyncset.done $0x0  }
0x84: {  	s30 =	sadd.s32 $0xFFFFEC00, s12;
	s1 =	simm.s32 @p0 $0x6;
	[sflag:s17] =	ssyncadd.s32 $0xFFFFE000  }
0x85: {  	[hbm4b:s30+s3] =	stream.linear.scatter [tilespmem:s22], [sflag:$0xF], $0x2000, $0x38;
	[tilespmem:$0x17400] =	vst v63  }
0x86: {  	_ =	swait.ge @p0 [sflag:s1], $0x2000  }
0x87: {  	[sflag:s1] =	ssyncset.done @p0 $0x0  }
0x88: {  	[sflag:s1] =	ssyncadd.s32 @p0 $0xFFFFE000;
	s1 =	simm.s32 @p0 $0xD400  }
0x89: {  	[hbm4b:s8+s28] =	stream.linear.scatter @p0 [tilespmem:s1], [sflag:$0x10], $0x2000, $0x38;
	[tilespmem:$0x17400] =	vst v63  }
0x8a: {  	s1 =	simm.s32 @!p0 $0xF  }
0x8b: {  	_ =	swait.ge @!p0 [sflag:s1], $0x2000  }
0x8c: {  	[sflag:s1] =	ssyncset.done @!p0 $0x0  }
0x8d: {  	s30 =	simm.s32 @!p0 $0xB400;
	[sflag:s1] =	ssyncadd.s32 @!p0 $0xFFFFE000;
	s1 =	sadd.s32 @!p0 $0x700, s24  }
0x8e: {  	[tilespmem:s30], [sflag:$0x5] =	stream.indirect.gather @!p0 [hbm4b:s2+s25], $0x80, s1, s25, $0xb8;
	[tilespmem:$0x17400] =	vst v63  }
0x8f: {  	s1 =	simm.s32 @!p0 $0x6  }
0x90: {  	_ =	swait.ge @!p0 [sflag:s1], $0x2000  }
0x91: {  	[sflag:s1] =	ssyncset.done @!p0 $0x0  }
0x92: {  	s30 =	simm.s32 @!p0 $0xD400;
	[sflag:s1] =	ssyncadd.s32 @!p0 $0xFFFFE000;
	s1 =	sadd.s32 @!p0 $0xFFFFF000, s12  }
0x93: {  	[hbm4b:s1+s29] =	stream.linear.scatter @!p0 [tilespmem:s30], [sflag:$0x10], $0x2000, $0x38;
	[tilespmem:$0x17400] =	vst v63  }
0x94: {  	s1 =	simm.s32 @!p0 $0x10  }
0x95: {  	_ =	swait.ge @!p0 [sflag:s1], $0x2000  }
0x96: {  	[sflag:s1] =	ssyncset.done @!p0 $0x0  }
0x97: {  	[sflag:s1] =	ssyncadd.s32 @!p0 $0xFFFFE000;
	s1 =	sadd.s32 @!p0 $0x780, s24  }
0x98: {  	[tilespmem:s30], [sflag:$0x6] =	stream.indirect.gather @!p0 [hbm4b:s2+s25], $0x80, s1, s25, $0xb8;
	[tilespmem:$0x17400] =	vst v63  }
0x99: {  	_ =	swait.ge [sflag:s19], $0x2000  }
0x9a: {  	[sflag:s19] =	ssyncset.done $0x0  }
0x9b: {  	s30 =	sadd.s32 $0xFFFFF400, s12;
	s1 =	simm.s32 @p0 $0x8;
	[sflag:s19] =	ssyncadd.s32 $0xFFFFE000  }
0x9c: {  	[hbm4b:s30+s3] =	stream.linear.scatter [tilespmem:s26], [sflag:$0x11], $0x2000, $0x38;
	[tilespmem:$0x17400] =	vst v63  }
0x9d: {  	_ =	swait.ge @p0 [sflag:s1], $0x2000  }
0x9e: {  	[sflag:s1] =	ssyncset.done @p0 $0x0  }
0x9f: {  	[sflag:s1] =	ssyncadd.s32 @p0 $0xFFFFE000;
	s1 =	simm.s32 @p0 $0x11400  }
0xa0: {  	[hbm4b:s9+s28] =	stream.linear.scatter @p0 [tilespmem:s1], [sflag:$0x12], $0x2000, $0x38;
	[tilespmem:$0x17400] =	vst v63  }
0xa1: {  	s1 =	simm.s32 @!p0 $0x11  }
0xa2: {  	_ =	swait.ge @!p0 [sflag:s1], $0x2000  }
0xa3: {  	[sflag:s1] =	ssyncset.done @!p0 $0x0  }
0xa4: {  	s28 =	simm.s32 @!p0 $0xF400;
	[sflag:s1] =	ssyncadd.s32 @!p0 $0xFFFFE000;
	s1 =	sadd.s32 @!p0 $0x800, s24  }
0xa5: {  	[tilespmem:s28], [sflag:$0x7] =	stream.indirect.gather @!p0 [hbm4b:s2+s25], $0x80, s1, s25, $0xb8;
	[tilespmem:$0x17400] =	vst v63  }
0xa6: {  	s1 =	simm.s32 @!p0 $0x8  }
0xa7: {  	_ =	swait.ge @!p0 [sflag:s1], $0x2000  }
0xa8: {  	[sflag:s1] =	ssyncset.done @!p0 $0x0  }
0xa9: {  	s28 =	simm.s32 @!p0 $0x11400;
	[sflag:s1] =	ssyncadd.s32 @!p0 $0xFFFFE000;
	s1 =	sadd.s32 @!p0 $0xFFFFF800, s12  }
0xaa: {  	[hbm4b:s1+s29] =	stream.linear.scatter @!p0 [tilespmem:s28], [sflag:$0x12], $0x2000, $0x38;
	[tilespmem:$0x17400] =	vst v63  }
0xab: {  	s1 =	simm.s32 @!p0 $0x12  }
0xac: {  	_ =	swait.ge @!p0 [sflag:s1], $0x2000  }
0xad: {  	[sflag:s1] =	ssyncset.done @!p0 $0x0  }
0xae: {  	[sflag:s1] =	ssyncadd.s32 @!p0 $0xFFFFE000;
	s1 =	sadd.s32 @!p0 $0x880, s24  }
0xaf: {  	[tilespmem:s28], [sflag:$0x8] =	stream.indirect.gather @!p0 [hbm4b:s2+s25], $0x80, s1, s25, $0xb8;
	[tilespmem:$0x17400] =	vst v63  }
.Ltmp2:
0xb0: {  	_ = 	snop;
	(pc) =	sbr.rel @p0 .LBB2_4-.Ltmp2, $4  }
0xb1: {  	_ =	swait.ge [sflag:s20], $0x2000  }
0xb2: {  	[sflag:s20] =	ssyncset.done $0x0  }
0xb3: {  	s30 =	sadd.s32 $0xFFFFFC00, s12;
	[sflag:s20] =	ssyncadd.s32 $0xFFFFE000  }
0xb4: {  	[hbm4b:s30+s3] =	stream.linear.scatter [tilespmem:s31], [sflag:$0x13], $0x2000, $0x38;
	[tilespmem:$0x17400] =	vst v63  }
0xb5: {  	_ =	swait.ge [sflag:s5], $0x2000  }
0xb6: {  	s1 =	sshra.s32 s23, $0x2;
	[sflag:s5] =	ssyncset.done $0x0  }
0xb7: {  	s24 =	sadd.s32 $0x900, s1;
	[sflag:s5] =	ssyncadd.s32 $0xFFFFE000  }
0xb8: {  	[tilespmem:s31], [sflag:$0x9] =	stream.indirect.gather [hbm4b:s2+s13], $0x80, s24, s13, $0xb8;
	[tilespmem:$0x17400] =	vst v63  }
0xb9: {  	_ =	swait.ge [sflag:s21], $0x2000  }
0xba: {  	[sflag:s21] =	ssyncset.done $0x0  }
0xbb: {  	[sflag:s21] =	ssyncadd.s32 $0xFFFFE000  }
0xbc: {  	[hbm4b:s12+s3] =	stream.linear.scatter [tilespmem:s0], [sflag:$0x14], $0x2000, $0x38;
	[tilespmem:$0x17400] =	vst v63  }
.Ltmp3:
0xbd: {  	_ = 	snop;
	(pc) =	sbr.rel .LBB2_2-.Ltmp3, $4  }
0xbe: {  	_ =	swait.ge [sflag:s10], $0x2000  }
0xbf: {  	s23 =	sadd.s32 $0x1400, s23;
	[sflag:s10] =	ssyncset.done $0x0  }
0xc0: {  	s1 =	sadd.s32 $0x980, s1;
	s12 =	sadd.s32 $0x2800, s12;
	[sflag:s10] =	ssyncadd.s32 $0xFFFFE000  }
0xc1: {  	[tilespmem:s0], [sflag:$0xA] =	stream.indirect.gather [hbm4b:s2+s13], $0x80, s1, s13, $0xb8;
	[tilespmem:$0x17400] =	vst v63  }
.LBB2_5:
0xc2: {  	_ =	sfence.sel $0x180000  }
0xc3: {  	[bflag:$0x0] =	sbarrier.arrive $0xFFFF  }
0xc4: {  	_ =	strace $0x90000047  }
0xc5: {  	s0 =	stileid.u32;
	[bflag:$0x2] =	sbarrier.arrive $0xFFFF  }
0xc6: {  	p0 =	sne.s32 s0, $0x0;
	s0 =	rddreg [dreg:$0x3]  }
0xc7: {  	s0 =	sadd.s32 @!p0 $0x100000, s0  }
0xc8: {  	[sflag:s0] =	ssyncadd.tile.s32 @!p0 $0x1;
	_ =	shalt  }
.Lfunc_end2:
_tile_overlayer_lowered:
.L_overlay_start_2:
0xc9: {  	(tag) =	ssettag $0x2  }
0xca: {  	s0 =	rddreg [dreg:$0x0];
	s2 =	stileid.u32  }
0xcb: {  	s1 =	rddreg [dreg:$0x1];
	p0 =	sne.s32 s2, $0x0  }
0xcc: {  	s3 =	rddreg [dreg:$0x2];
	[bflag:$0x3] =	sbarrier.arrive $0xFFFF;
	s2 =	simm.s32 @!p0 $0x1C15  }
0xcd: {  	[timem:s3], [sflag:s2] =	dma.local @!p0 [hbm:s0], s1  }
0xce: {  	s0 =	simm.s32 @!p0 $0x15  }
0xcf: {  	_ =	swait.ge @!p0 [sflag:s0], s1  }
0xd0: {  	s1 =	ssub.s32 @!p0 $0x0, s1;
	[sflag:s0] =	ssyncset.done @!p0 $0x0  }
0xd1: {  	[sflag:s0] =	ssyncadd.s32 @!p0 s1  }
0xd2: {  	[bflag:$0x3] =	sbarrier.arrive $0xFFFF  }
0xd3: {  	_ =	shalt  }

</sc_bundles>
